<compile_context>
chip_gen: v7x
topology: tpu7x:2x2x1
jax: 0.10.2.dev20260603
libtpu: 0.0.44.dev20260713+nightly
codegen_flags: <defaults>
</compile_context>

<pallas_src>
import functools

import jax
import jax.numpy as jnp
from jax import lax
from jax.experimental import pallas as pl
from jax.experimental.pallas import tpu as pltpu
from jax.experimental.pallas import tpu_sc as plsc

B = 8
N = 8192
GROUPS_ = 512
K_ = 32
D_ = 256
SUB = 8
LANE = N // SUB


def _fps_body(f0_ref, xc_ref, cent_ref, dist_ref):
    x3 = xc_ref[0]
    y3 = xc_ref[1]
    z3 = xc_ref[2]
    dist_ref[...] = jnp.full((B, SUB, LANE), 1e10, jnp.float32)
    flat_iota = (lax.broadcasted_iota(jnp.int32, (B, SUB, LANE), 1) * LANE
                 + lax.broadcasted_iota(jnp.int32, (B, SUB, LANE), 2))
    iota_g = lax.broadcasted_iota(jnp.int32, (1, GROUPS_), 1)
    big = jnp.int32(2**30)

    def coords_at(f11):
        hit = flat_iota == f11
        cx = jnp.sum(jnp.sum(jnp.where(hit, x3, 0.0), axis=2, keepdims=True),
                     axis=1, keepdims=True)
        cy = jnp.sum(jnp.sum(jnp.where(hit, y3, 0.0), axis=2, keepdims=True),
                     axis=1, keepdims=True)
        cz = jnp.sum(jnp.sum(jnp.where(hit, z3, 0.0), axis=2, keepdims=True),
                     axis=1, keepdims=True)
        return cx, cy, cz

    def body(i, carry):
        f, cx, cy, cz, acc = carry
        dx = x3 - cx
        dy = y3 - cy
        dz = z3 - cz
        d = dx * dx + dy * dy + dz * dz
        dm = jnp.minimum(dist_ref[...], d)
        dist_ref[...] = dm
        m = jnp.max(jnp.max(dm, axis=2, keepdims=True), axis=1,
                    keepdims=True)
        masked = jnp.where(dm == m, flat_iota, big)
        fn = jnp.min(jnp.min(masked, axis=2, keepdims=True), axis=1,
                     keepdims=True)
        ncx, ncy, ncz = coords_at(fn)
        acc = jnp.where(iota_g == i, f[:, 0, :], acc)
        return fn, ncx, ncy, ncz, acc

    f0 = f0_ref[...].reshape(B, 1, 1)
    cx0, cy0, cz0 = coords_at(f0)
    acc0 = jnp.zeros((B, GROUPS_), jnp.int32)
    _, _, _, _, acc = lax.fori_loop(0, GROUPS_, body,
                                    (f0, cx0, cy0, cz0, acc0))
    boff = lax.broadcasted_iota(jnp.int32, (B, 1), 0) * N
    cent_ref[...] = acc + boff


def _fps_call(xyz_c3, f0, interpret=False):
    return pl.pallas_call(
        _fps_body,
        in_specs=[
            pl.BlockSpec((B, 1), lambda: (0, 0)),
            pl.BlockSpec((3, B, SUB, LANE), lambda: (0, 0, 0, 0)),
        ],
        out_specs=pl.BlockSpec((B, GROUPS_), lambda: (0, 0)),
        out_shape=jax.ShapeDtypeStruct((B, GROUPS_), jnp.int32),
        scratch_shapes=[pltpu.VMEM((B, SUB, LANE), jnp.float32)],
        interpret=interpret,
    )(f0, xyz_c3)


QB = 128
G_ = 32
W_ = N // G_
R_ = 8


def _knn_body(q_ref, xt_ref, out_ref, dist_ref, cv_ref, cix_ref):
    bb = pl.program_id(0)
    q = q_ref[0]
    x_t = xt_ref[0]
    qx = q[:, 0:1]
    qy = q[:, 1:2]
    qz = q[:, 2:3]
    s2 = qx * qx + qy * qy + qz * qz
    x0 = x_t[0:1, :]
    x1 = x_t[1:2, :]
    x2r = x_t[2:3, :]
    x2 = x0 * x0 + x1 * x1 + x2r * x2r

    def fresh_dist():
        mm = lax.dot_general(q, x_t, (((1,), (0,)), ((), ())),
                             preferred_element_type=jnp.float32)
        d = -2.0 * mm
        d = d + s2
        d = d + x2
        return d.reshape(QB, G_, W_)

    inf = jnp.float32(jnp.inf)
    big = jnp.int32(2**30)
    ci3 = (lax.broadcasted_iota(jnp.int32, (1, G_, W_), 1) * W_
           + lax.broadcasted_iota(jnp.int32, (1, G_, W_), 2))
    ki = lax.broadcasted_iota(jnp.int32, (1, K_), 1)

    dist_ref[...] = fresh_dist()

    cvs, cis = [], []
    for _r in range(R_):
        dm = dist_ref[...]
        gm = jnp.min(dm, axis=2, keepdims=True)
        gi = jnp.min(jnp.where(dm == gm, ci3, big), axis=2, keepdims=True)
        dist_ref[...] = jnp.where(ci3 == gi, inf, dm)
        cvs.append(gm[:, :, 0])
        cis.append(gi[:, :, 0])
    cv_ref[...] = jnp.concatenate(cvs, axis=1)
    cix_ref[...] = jnp.concatenate(cis, axis=1)
    rmin = jnp.min(jnp.min(dist_ref[...], axis=2, keepdims=True),
                   axis=1, keepdims=True)[:, :, 0]

    def merge_body(k, carry):
        idxmat, _ = carry
        cv = cv_ref[...]
        m = jnp.min(cv, axis=1, keepdims=True)
        cix = cix_ref[...]
        masked = jnp.where(cv == m, cix, big)
        idxk = jnp.min(masked, axis=1, keepdims=True)
        cv_ref[...] = jnp.where(cix == idxk, inf, cv)
        return jnp.where(ki == k, idxk, idxmat), m

    idxmat, m32 = lax.fori_loop(
        0, K_, merge_body,
        (jnp.zeros((QB, K_), jnp.int32), jnp.zeros((QB, 1), jnp.float32)))
    ok = jnp.all(m32 < rmin)

    def slow_path(_):
        dist_ref[...] = fresh_dist()

        def body(k, acc):
            dd = dist_ref[...]
            m = jnp.min(jnp.min(dd, axis=2, keepdims=True), axis=1,
                        keepdims=True)
            idxk = jnp.min(jnp.min(jnp.where(dd == m, ci3, big), axis=2,
                                   keepdims=True), axis=1, keepdims=True)
            dist_ref[...] = jnp.where(ci3 == idxk, inf, dd)
            return jnp.where(ki == k, idxk[:, :, 0], acc)

        return lax.fori_loop(0, K_, body, jnp.zeros((QB, K_), jnp.int32))

    idxmat = lax.cond(ok, lambda _: idxmat, slow_path, 0)
    out_ref[0] = idxmat + bb * N


def _knn_call(new_xyz, xyz_t, interpret=False):
    return pl.pallas_call(
        _knn_body,
        grid=(B, GROUPS_ // QB),
        in_specs=[
            pl.BlockSpec((1, QB, 3), lambda b, q: (b, q, 0)),
            pl.BlockSpec((1, 3, N), lambda b, q: (b, 0, 0)),
        ],
        out_specs=pl.BlockSpec((1, QB, K_), lambda b, q: (b, q, 0)),
        out_shape=jax.ShapeDtypeStruct((B, GROUPS_, K_), jnp.int32),
        scratch_shapes=[
            pltpu.VMEM((QB, G_, W_), jnp.float32),
            pltpu.VMEM((QB, G_ * R_), jnp.float32),
            pltpu.VMEM((QB, G_ * R_), jnp.int32),
        ],
        interpret=interpret,
    )(new_xyz, xyz_t)


def _sc_gather(table, idx, chunk, tc_tiling=True):
    rows, d = table.shape
    nidx = idx.shape[0]
    info = plsc.get_sparse_core_info()
    nw = info.num_cores * info.num_subcores
    per_w = nidx // nw
    nchunks = per_w // chunk
    mesh = plsc.VectorSubcoreMesh(core_axis_name="c", subcore_axis_name="s")

    @functools.partial(
        pl.kernel,
        out_type=jax.ShapeDtypeStruct((nidx, d), jnp.float32),
        mesh=mesh,
        compiler_params=pltpu.CompilerParams(use_tc_tiling_on_sc=tc_tiling),
        scratch_types=[
            pltpu.VMEM((per_w,), jnp.int32),
            pltpu.VMEM((chunk, d), jnp.float32),
            pltpu.SemaphoreType.DMA,
        ],
    )
    def k(table_hbm, idx_hbm, out_hbm, idx_v, rows_v, sem):
        wid = lax.axis_index("s") * info.num_cores + lax.axis_index("c")
        base = wid * per_w
        pltpu.sync_copy(idx_hbm.at[pl.ds(base, per_w)], idx_v)

        def body(c, _):
            off = c * chunk
            pltpu.async_copy(
                table_hbm.at[idx_v.at[pl.ds(off, chunk)]], rows_v, sem
            ).wait()
            pltpu.sync_copy(rows_v, out_hbm.at[pl.ds(base + off, chunk)])
            return 0

        lax.fori_loop(0, nchunks, body, 0)

    return k(table, idx)


def kernel(xyz, points):
    xyz_t = jnp.transpose(xyz, (0, 2, 1))
    xyz_c3 = jnp.transpose(xyz_t, (1, 0, 2)).reshape(3, B, SUB, LANE)
    f0 = jax.random.randint(jax.random.key(42), (B,), 0, N).astype(
        jnp.int32).reshape(B, 1)

    cent = _fps_call(xyz_c3, f0)
    fps_flat = cent.reshape(B * GROUPS_)

    points_flat = points.reshape(B * N, D_)
    xyz16 = jnp.pad(xyz.reshape(B * N, 3), ((0, 0), (0, 13)))

    new_xyz16 = _sc_gather(xyz16, fps_flat, 128, tc_tiling=False)
    new_xyz = new_xyz16[:, :3].reshape(B, GROUPS_, 3)

    idx = _knn_call(new_xyz, xyz_t)
    idx_flat = idx.reshape(B * GROUPS_ * K_)

    new_points = _sc_gather(points_flat, fps_flat, 128)
    grouped_points = _sc_gather(points_flat, idx_flat, 128)
    grouped_xyz16 = _sc_gather(xyz16, idx_flat, 512, tc_tiling=False)

    return (
        new_xyz,
        new_points.reshape(B, GROUPS_, D_),
        grouped_xyz16[:, :3].reshape(B, GROUPS_, K_, 3),
        grouped_points.reshape(B, GROUPS_, K_, D_),
    )

# --- scband reference (transcript-rebuilt; emitter-appended) ---
"""Pipeline reference for scband-model1-32641751449662 (READ-ONLY COPY).

The authoritative reference and input builder live on the scoring server;
editing this copy changes nothing except your own understanding.
"""

import jax, jax.numpy as jnp
import numpy as np

GROUPS = 512
KNEIGHBORS = 32

def square_distance(src, dst):
    dist = -2.0 * jnp.matmul(src, jnp.transpose(dst, (0, 2, 1)))
    dist = dist + jnp.sum(src ** 2, -1)[:, :, None]
    dist = dist + jnp.sum(dst ** 2, -1)[:, None, :]
    return dist

def index_points(points, idx):
    B = points.shape[0]
    batch = jnp.arange(B).reshape((B,) + (1,) * (idx.ndim - 1))
    batch = jnp.broadcast_to(batch, idx.shape)
    return points[batch, idx]

def farthest_point_sample(xyz, npoint):
    B, N, _ = xyz.shape
    key = jax.random.key(42)
    farthest = jax.random.randint(key, (B,), 0, N).astype(jnp.int32)
    distance = jnp.full((B, N), 1e10, dtype=xyz.dtype)
    centroids = jnp.zeros((B, npoint), dtype=jnp.int32)

    def body(i, carry):
        centroids, distance, farthest = carry
        centroids = centroids.at[:, i].set(farthest)
        centroid = xyz[jnp.arange(B), farthest][:, None, :]
        dist = jnp.sum((xyz - centroid) ** 2, -1)
        distance = jnp.minimum(distance, dist)
        farthest = jnp.argmax(distance, -1).astype(jnp.int32)
        return (centroids, distance, farthest)

    centroids, _, _ = jax.lax.fori_loop(0, npoint, body, (centroids, distance, farthest))
    return centroids

def knn_point(nsample, xyz, new_xyz):
    sqrdists = square_distance(new_xyz, xyz)
    _, group_idx = jax.lax.top_k(-sqrdists, nsample)
    return group_idx

def setup_inputs(seed: int = 0) -> dict:
    key = jax.random.key(seed)
    k1, k2 = jax.random.split(key)
    xyz = jax.random.normal(k1, (8, 8192, 3), dtype=jnp.float32)
    points = jax.random.normal(k2, (8, 8192, 256), dtype=jnp.float32)
    return {"xyz": xyz, "points": points}

def reference(xyz, points):
    fps_idx = farthest_point_sample(xyz, GROUPS)
    new_xyz = index_points(xyz, fps_idx)
    new_points = index_points(points, fps_idx)
    idx = knn_point(KNEIGHBORS, xyz, new_xyz)
    grouped_xyz = index_points(xyz, idx)
    grouped_points = index_points(points, idx)
    return (new_xyz, new_points, grouped_xyz, grouped_points)

if __name__ == "__main__":
    import jax
    _d = setup_inputs()
    print(jax.jit(kernel)(*tuple(_d.values())))

</pallas_src>

<mosaic_0001>
#map = affine_map<(d0, d1) -> (0, 0)>
#map1 = affine_map<(d0, d1) -> (0)>
module attributes {stable_mosaic.version = 14 : i64} {
  func.func @k(%arg0: i32, %arg1: i32, %arg2: memref<65536x256xf32, #tpu.memory_space<hbm>>, %arg3: memref<131072xi32, #tpu.memory_space<hbm>>, %arg4: memref<131072x256xf32, #tpu.memory_space<hbm>>, %arg5: memref<4096xi32, #tpu.memory_space<vmem>>, %arg6: memref<128x256xf32, #tpu.memory_space<vmem>>, %arg7: memref<!tpu.dma_semaphore, #tpu.memory_space<semaphore_mem>>) attributes {dimension_semantics = [#tpu.dimension_semantics<core_parallel>, #tpu.dimension_semantics<subcore_parallel>], iteration_bounds = array<i64: 2, 16>, scalar_prefetch = 0 : i64, scratch_operands = 3 : i64, tpu.core_type = #tpu.core_type<sc_vector_subcore>, window_params = [{transform_indices = #map}, {transform_indices = #map1}, {transform_indices = #map}]} {
    %mul3A = arith.constant 2 : i32
    %mul3A_0 = arith.muli %arg1, %mul3A : i32
    %add3A = arith.addi %mul3A_0, %arg0 : i32
    %mul3A_1 = arith.constant 4096 : i32
    %mul3A_2 = arith.muli %add3A, %mul3A_1 : i32
    "tpu.region"() ({
      %run_scoped3A = tpu.sem_alloc : memref<!tpu.dma_semaphore, #tpu.memory_space<semaphore_mem>>
      %dma_start3A = tpu.memref_slice %arg3[%mul3A_2] : memref<131072xi32, #tpu.memory_space<hbm>> -> memref<4096xi32, #tpu.memory_space<hbm>>
      %dma_start3A_9 = tpu.memref_slice %arg3[%mul3A_2] : memref<131072xi32, #tpu.memory_space<hbm>> -> memref<4096xi32, #tpu.memory_space<hbm>>
      tpu.enqueue_dma source(%dma_start3A_9 : memref<4096xi32, #tpu.memory_space<hbm>>) target(%arg5 : memref<4096xi32, #tpu.memory_space<vmem>>) target_semaphore(%run_scoped3A : memref<!tpu.dma_semaphore, #tpu.memory_space<semaphore_mem>>)
      %dma_wait3A = tpu.memref_slice %arg3[%mul3A_2] : memref<131072xi32, #tpu.memory_space<hbm>> -> memref<4096xi32, #tpu.memory_space<hbm>>
      %dma_wait3A_10 = tpu.memref_slice %arg3[%mul3A_2] : memref<131072xi32, #tpu.memory_space<hbm>> -> memref<4096xi32, #tpu.memory_space<hbm>>
      tpu.wait_dma2 semaphore(%run_scoped3A : memref<!tpu.dma_semaphore, #tpu.memory_space<semaphore_mem>>) src(%dma_wait3A_10 : memref<4096xi32, #tpu.memory_space<hbm>>) dst(%arg5 : memref<4096xi32, #tpu.memory_space<vmem>>)
      tpu.yield
    }) : () -> ()
    %scan3A = arith.constant 0 : i32
    %scan3A_3 = arith.constant 0 : i32
    %scan3A_4 = arith.constant 32 : i32
    %scan3A_5 = arith.addi %scan3A_3, %scan3A_4 : i32
    %scan3A_6 = arith.constant 1 : i32
    %scan3A_7 = scf.for %scan3A_9 = %scan3A_3 to %scan3A_5 step %scan3A_6 iter_args(%scan3A_10 = %scan3A) -> (i32)  : i32 {
      %mul3A_11 = arith.constant 128 : i32
      %mul3A_12 = arith.muli %scan3A_9, %mul3A_11 : i32
      %dma_start3A = tpu.memref_slice %arg5[%mul3A_12] : memref<4096xi32, #tpu.memory_space<vmem>> -> memref<128xi32, #tpu.memory_space<vmem>>
      %dma_start3A_13 = arith.constant 0 : i32
      %dma_start3A_14 = arith.constant 0 : i32
      %dma_start3A_15 = tpu.memref_slice %arg2[%dma_start3A_13, %dma_start3A_14] : memref<65536x256xf32, #tpu.memory_space<hbm>> -> memref<65536x256xf32, #tpu.memory_space<hbm>>
      tpu.enqueue_indirect_dma source(%dma_start3A_15 : memref<65536x256xf32, #tpu.memory_space<hbm>>) target(%arg6 : memref<128x256xf32, #tpu.memory_space<vmem>>) offsets(%dma_start3A : memref<128xi32, #tpu.memory_space<vmem>>) semaphore(%arg7 : memref<!tpu.dma_semaphore, #tpu.memory_space<semaphore_mem>>)
      %dma_wait3A = tpu.memref_slice %arg5[%mul3A_12] : memref<4096xi32, #tpu.memory_space<vmem>> -> memref<128xi32, #tpu.memory_space<vmem>>
      %dma_wait3A_16 = arith.constant 0 : i32
      %dma_wait3A_17 = arith.constant 0 : i32
      %dma_wait3A_18 = tpu.memref_slice %arg2[%dma_wait3A_16, %dma_wait3A_17] : memref<65536x256xf32, #tpu.memory_space<hbm>> -> memref<65536x256xf32, #tpu.memory_space<hbm>>
      tpu.wait_indirect_dma semaphore(%arg7 : memref<!tpu.dma_semaphore, #tpu.memory_space<semaphore_mem>>) src(%dma_wait3A_18 : memref<65536x256xf32, #tpu.memory_space<hbm>>) dst(%arg6 : memref<128x256xf32, #tpu.memory_space<vmem>>)
      %add3A_19 = arith.addi %mul3A_2, %mul3A_12 : i32
      "tpu.region"() ({
        %run_scoped3A = tpu.sem_alloc : memref<!tpu.dma_semaphore, #tpu.memory_space<semaphore_mem>>
        %dma_start3A_21 = arith.constant 0 : i32
        %dma_start3A_22 = tpu.memref_slice %arg4[%add3A_19, %dma_start3A_21] : memref<131072x256xf32, #tpu.memory_space<hbm>> -> memref<128x256xf32, #tpu.memory_space<hbm>>
        %dma_start3A_23 = arith.constant 0 : i32
        %dma_start3A_24 = tpu.memref_slice %arg4[%add3A_19, %dma_start3A_23] : memref<131072x256xf32, #tpu.memory_space<hbm>> -> memref<128x256xf32, #tpu.memory_space<hbm>>
        tpu.enqueue_dma source(%arg6 : memref<128x256xf32, #tpu.memory_space<vmem>>) target(%dma_start3A_24 : memref<128x256xf32, #tpu.memory_space<hbm>>) target_semaphore(%run_scoped3A : memref<!tpu.dma_semaphore, #tpu.memory_space<semaphore_mem>>)
        %dma_wait3A_25 = arith.constant 0 : i32
        %dma_wait3A_26 = tpu.memref_slice %arg4[%add3A_19, %dma_wait3A_25] : memref<131072x256xf32, #tpu.memory_space<hbm>> -> memref<128x256xf32, #tpu.memory_space<hbm>>
        %dma_wait3A_27 = arith.constant 0 : i32
        %dma_wait3A_28 = tpu.memref_slice %arg4[%add3A_19, %dma_wait3A_27] : memref<131072x256xf32, #tpu.memory_space<hbm>> -> memref<128x256xf32, #tpu.memory_space<hbm>>
        tpu.wait_dma2 semaphore(%run_scoped3A : memref<!tpu.dma_semaphore, #tpu.memory_space<semaphore_mem>>) src(%arg6 : memref<128x256xf32, #tpu.memory_space<vmem>>) dst(%dma_wait3A_28 : memref<128x256xf32, #tpu.memory_space<hbm>>)
        tpu.yield
      }) : () -> ()
      %scan3A_20 = arith.constant 0 : i32
      scf.yield %scan3A_20 : i32
    }
    %scan3A_8 = arith.constant 32 : i32
    return
  }
}

#map = affine_map<(d0, d1) -> (0, 0)>
#map1 = affine_map<(d0, d1) -> (0)>
module attributes {stable_mosaic.version = 14 : i64} {
  func.func @k(%arg0: i32, %arg1: i32, %arg2: memref<65536x256xf32, #tpu.memory_space<hbm>>, %arg3: memref<4096xi32, #tpu.memory_space<hbm>>, %arg4: memref<4096x256xf32, #tpu.memory_space<hbm>>, %arg5: memref<128xi32, #tpu.memory_space<vmem>>, %arg6: memref<128x256xf32, #tpu.memory_space<vmem>>, %arg7: memref<!tpu.dma_semaphore, #tpu.memory_space<semaphore_mem>>) attributes {dimension_semantics = [#tpu.dimension_semantics<core_parallel>, #tpu.dimension_semantics<subcore_parallel>], iteration_bounds = array<i64: 2, 16>, scalar_prefetch = 0 : i64, scratch_operands = 3 : i64, tpu.core_type = #tpu.core_type<sc_vector_subcore>, window_params = [{transform_indices = #map}, {transform_indices = #map1}, {transform_indices = #map}]} {
    %mul3A = arith.constant 2 : i32
    %mul3A_0 = arith.muli %arg1, %mul3A : i32
    %add3A = arith.addi %mul3A_0, %arg0 : i32
    %mul3A_1 = arith.constant 128 : i32
    %mul3A_2 = arith.muli %add3A, %mul3A_1 : i32
    "tpu.region"() ({
      %run_scoped3A = tpu.sem_alloc : memref<!tpu.dma_semaphore, #tpu.memory_space<semaphore_mem>>
      %dma_start3A_15 = tpu.memref_slice %arg3[%mul3A_2] : memref<4096xi32, #tpu.memory_space<hbm>> -> memref<128xi32, #tpu.memory_space<hbm>>
      %dma_start3A_16 = tpu.memref_slice %arg3[%mul3A_2] : memref<4096xi32, #tpu.memory_space<hbm>> -> memref<128xi32, #tpu.memory_space<hbm>>
      tpu.enqueue_dma source(%dma_start3A_16 : memref<128xi32, #tpu.memory_space<hbm>>) target(%arg5 : memref<128xi32, #tpu.memory_space<vmem>>) target_semaphore(%run_scoped3A : memref<!tpu.dma_semaphore, #tpu.memory_space<semaphore_mem>>)
      %dma_wait3A_17 = tpu.memref_slice %arg3[%mul3A_2] : memref<4096xi32, #tpu.memory_space<hbm>> -> memref<128xi32, #tpu.memory_space<hbm>>
      %dma_wait3A_18 = tpu.memref_slice %arg3[%mul3A_2] : memref<4096xi32, #tpu.memory_space<hbm>> -> memref<128xi32, #tpu.memory_space<hbm>>
      tpu.wait_dma2 semaphore(%run_scoped3A : memref<!tpu.dma_semaphore, #tpu.memory_space<semaphore_mem>>) src(%dma_wait3A_18 : memref<128xi32, #tpu.memory_space<hbm>>) dst(%arg5 : memref<128xi32, #tpu.memory_space<vmem>>)
      tpu.yield
    }) : () -> ()
    %scan3A = arith.constant 0 : i32
    %scan3A_3 = arith.constant 0 : i32
    %mul3A_4 = arith.constant 128 : i32
    %mul3A_5 = arith.muli %scan3A_3, %mul3A_4 : i32
    %dma_start3A = tpu.memref_slice %arg5[%mul3A_5] : memref<128xi32, #tpu.memory_space<vmem>> -> memref<128xi32, #tpu.memory_space<vmem>>
    %dma_start3A_6 = arith.constant 0 : i32
    %dma_start3A_7 = arith.constant 0 : i32
    %dma_start3A_8 = tpu.memref_slice %arg2[%dma_start3A_6, %dma_start3A_7] : memref<65536x256xf32, #tpu.memory_space<hbm>> -> memref<65536x256xf32, #tpu.memory_space<hbm>>
    tpu.enqueue_indirect_dma source(%dma_start3A_8 : memref<65536x256xf32, #tpu.memory_space<hbm>>) target(%arg6 : memref<128x256xf32, #tpu.memory_space<vmem>>) offsets(%dma_start3A : memref<128xi32, #tpu.memory_space<vmem>>) semaphore(%arg7 : memref<!tpu.dma_semaphore, #tpu.memory_space<semaphore_mem>>)
    %dma_wait3A = tpu.memref_slice %arg5[%mul3A_5] : memref<128xi32, #tpu.memory_space<vmem>> -> memref<128xi32, #tpu.memory_space<vmem>>
    %dma_wait3A_9 = arith.constant 0 : i32
    %dma_wait3A_10 = arith.constant 0 : i32
    %dma_wait3A_11 = tpu.memref_slice %arg2[%dma_wait3A_9, %dma_wait3A_10] : memref<65536x256xf32, #tpu.memory_space<hbm>> -> memref<65536x256xf32, #tpu.memory_space<hbm>>
    tpu.wait_indirect_dma semaphore(%arg7 : memref<!tpu.dma_semaphore, #tpu.memory_space<semaphore_mem>>) src(%dma_wait3A_11 : memref<65536x256xf32, #tpu.memory_space<hbm>>) dst(%arg6 : memref<128x256xf32, #tpu.memory_space<vmem>>)
    %add3A_12 = arith.addi %mul3A_2, %mul3A_5 : i32
    "tpu.region"() ({
      %run_scoped3A = tpu.sem_alloc : memref<!tpu.dma_semaphore, #tpu.memory_space<semaphore_mem>>
      %dma_start3A_15 = arith.constant 0 : i32
      %dma_start3A_16 = tpu.memref_slice %arg4[%add3A_12, %dma_start3A_15] : memref<4096x256xf32, #tpu.memory_space<hbm>> -> memref<128x256xf32, #tpu.memory_space<hbm>>
      %dma_start3A_17 = arith.constant 0 : i32
      %dma_start3A_18 = tpu.memref_slice %arg4[%add3A_12, %dma_start3A_17] : memref<4096x256xf32, #tpu.memory_space<hbm>> -> memref<128x256xf32, #tpu.memory_space<hbm>>
      tpu.enqueue_dma source(%arg6 : memref<128x256xf32, #tpu.memory_space<vmem>>) target(%dma_start3A_18 : memref<128x256xf32, #tpu.memory_space<hbm>>) target_semaphore(%run_scoped3A : memref<!tpu.dma_semaphore, #tpu.memory_space<semaphore_mem>>)
      %dma_wait3A_19 = arith.constant 0 : i32
      %dma_wait3A_20 = tpu.memref_slice %arg4[%add3A_12, %dma_wait3A_19] : memref<4096x256xf32, #tpu.memory_space<hbm>> -> memref<128x256xf32, #tpu.memory_space<hbm>>
      %dma_wait3A_21 = arith.constant 0 : i32
      %dma_wait3A_22 = tpu.memref_slice %arg4[%add3A_12, %dma_wait3A_21] : memref<4096x256xf32, #tpu.memory_space<hbm>> -> memref<128x256xf32, #tpu.memory_space<hbm>>
      tpu.wait_dma2 semaphore(%run_scoped3A : memref<!tpu.dma_semaphore, #tpu.memory_space<semaphore_mem>>) src(%arg6 : memref<128x256xf32, #tpu.memory_space<vmem>>) dst(%dma_wait3A_22 : memref<128x256xf32, #tpu.memory_space<hbm>>)
      tpu.yield
    }) : () -> ()
    %scan3A_13 = arith.constant 0 : i32
    %scan3A_14 = arith.constant 1 : i32
    return
  }
}

#map = affine_map<(d0, d1) -> (0, 0)>
#map1 = affine_map<(d0, d1) -> (0)>
module attributes {stable_mosaic.version = 14 : i64} {
  func.func @k(%arg0: i32, %arg1: i32, %arg2: memref<65536x16xf32, #tpu.memory_space<hbm>>, %arg3: memref<4096xi32, #tpu.memory_space<hbm>>, %arg4: memref<4096x16xf32, #tpu.memory_space<hbm>>, %arg5: memref<128xi32, #tpu.memory_space<vmem>>, %arg6: memref<128x16xf32, #tpu.memory_space<vmem>>, %arg7: memref<!tpu.dma_semaphore, #tpu.memory_space<semaphore_mem>>) attributes {dimension_semantics = [#tpu.dimension_semantics<core_parallel>, #tpu.dimension_semantics<subcore_parallel>], iteration_bounds = array<i64: 2, 16>, scalar_prefetch = 0 : i64, scratch_operands = 3 : i64, tpu.core_type = #tpu.core_type<sc_vector_subcore>, window_params = [{transform_indices = #map}, {transform_indices = #map1}, {transform_indices = #map}]} {
    %mul3A = arith.constant 2 : i32
    %mul3A_0 = arith.muli %arg1, %mul3A : i32
    %add3A = arith.addi %mul3A_0, %arg0 : i32
    %mul3A_1 = arith.constant 128 : i32
    %mul3A_2 = arith.muli %add3A, %mul3A_1 : i32
    "tpu.region"() ({
      %run_scoped3A = tpu.sem_alloc : memref<!tpu.dma_semaphore, #tpu.memory_space<semaphore_mem>>
      %dma_start3A_15 = tpu.memref_slice %arg3[%mul3A_2] : memref<4096xi32, #tpu.memory_space<hbm>> -> memref<128xi32, #tpu.memory_space<hbm>>
      %dma_start3A_16 = tpu.memref_slice %arg3[%mul3A_2] : memref<4096xi32, #tpu.memory_space<hbm>> -> memref<128xi32, #tpu.memory_space<hbm>>
      tpu.enqueue_dma source(%dma_start3A_16 : memref<128xi32, #tpu.memory_space<hbm>>) target(%arg5 : memref<128xi32, #tpu.memory_space<vmem>>) target_semaphore(%run_scoped3A : memref<!tpu.dma_semaphore, #tpu.memory_space<semaphore_mem>>)
      %dma_wait3A_17 = tpu.memref_slice %arg3[%mul3A_2] : memref<4096xi32, #tpu.memory_space<hbm>> -> memref<128xi32, #tpu.memory_space<hbm>>
      %dma_wait3A_18 = tpu.memref_slice %arg3[%mul3A_2] : memref<4096xi32, #tpu.memory_space<hbm>> -> memref<128xi32, #tpu.memory_space<hbm>>
      tpu.wait_dma2 semaphore(%run_scoped3A : memref<!tpu.dma_semaphore, #tpu.memory_space<semaphore_mem>>) src(%dma_wait3A_18 : memref<128xi32, #tpu.memory_space<hbm>>) dst(%arg5 : memref<128xi32, #tpu.memory_space<vmem>>)
      tpu.yield
    }) : () -> ()
    %scan3A = arith.constant 0 : i32
    %scan3A_3 = arith.constant 0 : i32
    %mul3A_4 = arith.constant 128 : i32
    %mul3A_5 = arith.muli %scan3A_3, %mul3A_4 : i32
    %dma_start3A = tpu.memref_slice %arg5[%mul3A_5] : memref<128xi32, #tpu.memory_space<vmem>> -> memref<128xi32, #tpu.memory_space<vmem>>
    %dma_start3A_6 = arith.constant 0 : i32
    %dma_start3A_7 = arith.constant 0 : i32
    %dma_start3A_8 = tpu.memref_slice %arg2[%dma_start3A_6, %dma_start3A_7] : memref<65536x16xf32, #tpu.memory_space<hbm>> -> memref<65536x16xf32, #tpu.memory_space<hbm>>
    tpu.enqueue_indirect_dma source(%dma_start3A_8 : memref<65536x16xf32, #tpu.memory_space<hbm>>) target(%arg6 : memref<128x16xf32, #tpu.memory_space<vmem>>) offsets(%dma_start3A : memref<128xi32, #tpu.memory_space<vmem>>) semaphore(%arg7 : memref<!tpu.dma_semaphore, #tpu.memory_space<semaphore_mem>>)
    %dma_wait3A = tpu.memref_slice %arg5[%mul3A_5] : memref<128xi32, #tpu.memory_space<vmem>> -> memref<128xi32, #tpu.memory_space<vmem>>
    %dma_wait3A_9 = arith.constant 0 : i32
    %dma_wait3A_10 = arith.constant 0 : i32
    %dma_wait3A_11 = tpu.memref_slice %arg2[%dma_wait3A_9, %dma_wait3A_10] : memref<65536x16xf32, #tpu.memory_space<hbm>> -> memref<65536x16xf32, #tpu.memory_space<hbm>>
    tpu.wait_indirect_dma semaphore(%arg7 : memref<!tpu.dma_semaphore, #tpu.memory_space<semaphore_mem>>) src(%dma_wait3A_11 : memref<65536x16xf32, #tpu.memory_space<hbm>>) dst(%arg6 : memref<128x16xf32, #tpu.memory_space<vmem>>)
    %add3A_12 = arith.addi %mul3A_2, %mul3A_5 : i32
    "tpu.region"() ({
      %run_scoped3A = tpu.sem_alloc : memref<!tpu.dma_semaphore, #tpu.memory_space<semaphore_mem>>
      %dma_start3A_15 = arith.constant 0 : i32
      %dma_start3A_16 = tpu.memref_slice %arg4[%add3A_12, %dma_start3A_15] : memref<4096x16xf32, #tpu.memory_space<hbm>> -> memref<128x16xf32, #tpu.memory_space<hbm>>
      %dma_start3A_17 = arith.constant 0 : i32
      %dma_start3A_18 = tpu.memref_slice %arg4[%add3A_12, %dma_start3A_17] : memref<4096x16xf32, #tpu.memory_space<hbm>> -> memref<128x16xf32, #tpu.memory_space<hbm>>
      tpu.enqueue_dma source(%arg6 : memref<128x16xf32, #tpu.memory_space<vmem>>) target(%dma_start3A_18 : memref<128x16xf32, #tpu.memory_space<hbm>>) target_semaphore(%run_scoped3A : memref<!tpu.dma_semaphore, #tpu.memory_space<semaphore_mem>>)
      %dma_wait3A_19 = arith.constant 0 : i32
      %dma_wait3A_20 = tpu.memref_slice %arg4[%add3A_12, %dma_wait3A_19] : memref<4096x16xf32, #tpu.memory_space<hbm>> -> memref<128x16xf32, #tpu.memory_space<hbm>>
      %dma_wait3A_21 = arith.constant 0 : i32
      %dma_wait3A_22 = tpu.memref_slice %arg4[%add3A_12, %dma_wait3A_21] : memref<4096x16xf32, #tpu.memory_space<hbm>> -> memref<128x16xf32, #tpu.memory_space<hbm>>
      tpu.wait_dma2 semaphore(%run_scoped3A : memref<!tpu.dma_semaphore, #tpu.memory_space<semaphore_mem>>) src(%arg6 : memref<128x16xf32, #tpu.memory_space<vmem>>) dst(%dma_wait3A_22 : memref<128x16xf32, #tpu.memory_space<hbm>>)
      tpu.yield
    }) : () -> ()
    %scan3A_13 = arith.constant 0 : i32
    %scan3A_14 = arith.constant 1 : i32
    return
  }
}

#map = affine_map<(d0, d1) -> (0, 0)>
#map1 = affine_map<(d0, d1) -> (0)>
module attributes {stable_mosaic.version = 14 : i64} {
  func.func @k(%arg0: i32, %arg1: i32, %arg2: memref<65536x16xf32, #tpu.memory_space<hbm>>, %arg3: memref<131072xi32, #tpu.memory_space<hbm>>, %arg4: memref<131072x16xf32, #tpu.memory_space<hbm>>, %arg5: memref<4096xi32, #tpu.memory_space<vmem>>, %arg6: memref<512x16xf32, #tpu.memory_space<vmem>>, %arg7: memref<!tpu.dma_semaphore, #tpu.memory_space<semaphore_mem>>) attributes {dimension_semantics = [#tpu.dimension_semantics<core_parallel>, #tpu.dimension_semantics<subcore_parallel>], iteration_bounds = array<i64: 2, 16>, scalar_prefetch = 0 : i64, scratch_operands = 3 : i64, tpu.core_type = #tpu.core_type<sc_vector_subcore>, window_params = [{transform_indices = #map}, {transform_indices = #map1}, {transform_indices = #map}]} {
    %mul3A = arith.constant 2 : i32
    %mul3A_0 = arith.muli %arg1, %mul3A : i32
    %add3A = arith.addi %mul3A_0, %arg0 : i32
    %mul3A_1 = arith.constant 4096 : i32
    %mul3A_2 = arith.muli %add3A, %mul3A_1 : i32
    "tpu.region"() ({
      %run_scoped3A = tpu.sem_alloc : memref<!tpu.dma_semaphore, #tpu.memory_space<semaphore_mem>>
      %dma_start3A = tpu.memref_slice %arg3[%mul3A_2] : memref<131072xi32, #tpu.memory_space<hbm>> -> memref<4096xi32, #tpu.memory_space<hbm>>
      %dma_start3A_9 = tpu.memref_slice %arg3[%mul3A_2] : memref<131072xi32, #tpu.memory_space<hbm>> -> memref<4096xi32, #tpu.memory_space<hbm>>
      tpu.enqueue_dma source(%dma_start3A_9 : memref<4096xi32, #tpu.memory_space<hbm>>) target(%arg5 : memref<4096xi32, #tpu.memory_space<vmem>>) target_semaphore(%run_scoped3A : memref<!tpu.dma_semaphore, #tpu.memory_space<semaphore_mem>>)
      %dma_wait3A = tpu.memref_slice %arg3[%mul3A_2] : memref<131072xi32, #tpu.memory_space<hbm>> -> memref<4096xi32, #tpu.memory_space<hbm>>
      %dma_wait3A_10 = tpu.memref_slice %arg3[%mul3A_2] : memref<131072xi32, #tpu.memory_space<hbm>> -> memref<4096xi32, #tpu.memory_space<hbm>>
      tpu.wait_dma2 semaphore(%run_scoped3A : memref<!tpu.dma_semaphore, #tpu.memory_space<semaphore_mem>>) src(%dma_wait3A_10 : memref<4096xi32, #tpu.memory_space<hbm>>) dst(%arg5 : memref<4096xi32, #tpu.memory_space<vmem>>)
      tpu.yield
    }) : () -> ()
    %scan3A = arith.constant 0 : i32
    %scan3A_3 = arith.constant 0 : i32
    %scan3A_4 = arith.constant 8 : i32
    %scan3A_5 = arith.addi %scan3A_3, %scan3A_4 : i32
    %scan3A_6 = arith.constant 1 : i32
    %scan3A_7 = scf.for %scan3A_9 = %scan3A_3 to %scan3A_5 step %scan3A_6 iter_args(%scan3A_10 = %scan3A) -> (i32)  : i32 {
      %mul3A_11 = arith.constant 512 : i32
      %mul3A_12 = arith.muli %scan3A_9, %mul3A_11 : i32
      %dma_start3A = tpu.memref_slice %arg5[%mul3A_12] : memref<4096xi32, #tpu.memory_space<vmem>> -> memref<512xi32, #tpu.memory_space<vmem>>
      %dma_start3A_13 = arith.constant 0 : i32
      %dma_start3A_14 = arith.constant 0 : i32
      %dma_start3A_15 = tpu.memref_slice %arg2[%dma_start3A_13, %dma_start3A_14] : memref<65536x16xf32, #tpu.memory_space<hbm>> -> memref<65536x16xf32, #tpu.memory_space<hbm>>
      tpu.enqueue_indirect_dma source(%dma_start3A_15 : memref<65536x16xf32, #tpu.memory_space<hbm>>) target(%arg6 : memref<512x16xf32, #tpu.memory_space<vmem>>) offsets(%dma_start3A : memref<512xi32, #tpu.memory_space<vmem>>) semaphore(%arg7 : memref<!tpu.dma_semaphore, #tpu.memory_space<semaphore_mem>>)
      %dma_wait3A = tpu.memref_slice %arg5[%mul3A_12] : memref<4096xi32, #tpu.memory_space<vmem>> -> memref<512xi32, #tpu.memory_space<vmem>>
      %dma_wait3A_16 = arith.constant 0 : i32
      %dma_wait3A_17 = arith.constant 0 : i32
      %dma_wait3A_18 = tpu.memref_slice %arg2[%dma_wait3A_16, %dma_wait3A_17] : memref<65536x16xf32, #tpu.memory_space<hbm>> -> memref<65536x16xf32, #tpu.memory_space<hbm>>
      tpu.wait_indirect_dma semaphore(%arg7 : memref<!tpu.dma_semaphore, #tpu.memory_space<semaphore_mem>>) src(%dma_wait3A_18 : memref<65536x16xf32, #tpu.memory_space<hbm>>) dst(%arg6 : memref<512x16xf32, #tpu.memory_space<vmem>>)
      %add3A_19 = arith.addi %mul3A_2, %mul3A_12 : i32
      "tpu.region"() ({
        %run_scoped3A = tpu.sem_alloc : memref<!tpu.dma_semaphore, #tpu.memory_space<semaphore_mem>>
        %dma_start3A_21 = arith.constant 0 : i32
        %dma_start3A_22 = tpu.memref_slice %arg4[%add3A_19, %dma_start3A_21] : memref<131072x16xf32, #tpu.memory_space<hbm>> -> memref<512x16xf32, #tpu.memory_space<hbm>>
        %dma_start3A_23 = arith.constant 0 : i32
        %dma_start3A_24 = tpu.memref_slice %arg4[%add3A_19, %dma_start3A_23] : memref<131072x16xf32, #tpu.memory_space<hbm>> -> memref<512x16xf32, #tpu.memory_space<hbm>>
        tpu.enqueue_dma source(%arg6 : memref<512x16xf32, #tpu.memory_space<vmem>>) target(%dma_start3A_24 : memref<512x16xf32, #tpu.memory_space<hbm>>) target_semaphore(%run_scoped3A : memref<!tpu.dma_semaphore, #tpu.memory_space<semaphore_mem>>)
        %dma_wait3A_25 = arith.constant 0 : i32
        %dma_wait3A_26 = tpu.memref_slice %arg4[%add3A_19, %dma_wait3A_25] : memref<131072x16xf32, #tpu.memory_space<hbm>> -> memref<512x16xf32, #tpu.memory_space<hbm>>
        %dma_wait3A_27 = arith.constant 0 : i32
        %dma_wait3A_28 = tpu.memref_slice %arg4[%add3A_19, %dma_wait3A_27] : memref<131072x16xf32, #tpu.memory_space<hbm>> -> memref<512x16xf32, #tpu.memory_space<hbm>>
        tpu.wait_dma2 semaphore(%run_scoped3A : memref<!tpu.dma_semaphore, #tpu.memory_space<semaphore_mem>>) src(%arg6 : memref<512x16xf32, #tpu.memory_space<vmem>>) dst(%dma_wait3A_28 : memref<512x16xf32, #tpu.memory_space<hbm>>)
        tpu.yield
      }) : () -> ()
      %scan3A_20 = arith.constant 0 : i32
      scf.yield %scan3A_20 : i32
    }
    %scan3A_8 = arith.constant 8 : i32
    return
  }
}

module attributes {stable_mosaic.version = 14 : i64} {
  func.func @_fps_body(%arg0: memref<8x1xi32, #tpu.memory_space<vmem>>, %arg1: memref<3x8x8x1024xf32, #tpu.memory_space<vmem>>, %arg2: memref<8x512xi32, #tpu.memory_space<vmem>>, %arg3: memref<8x8x1024xf32, #tpu.memory_space<vmem>>) attributes {dimension_semantics = [], scalar_prefetch = 0 : i64, scratch_operands = 1 : i64, tpu.core_type = #tpu.core_type<tc>} {
    %get3A = arith.constant 0 : index
    %get3A_0 = arith.constant 0 : index
    %get3A_1 = arith.constant 0 : index
    %get3A_2 = arith.constant 0 : index
    %get3A_3 = vector.load %arg1[%get3A, %get3A_0, %get3A_1, %get3A_2] : memref<3x8x8x1024xf32, #tpu.memory_space<vmem>>, vector<1x8x8x1024xf32>
    %get3A_4 = vector.shape_cast %get3A_3 : vector<1x8x8x1024xf32> to vector<8x8x1024xf32>
    %get3A_5 = arith.constant 1 : index
    %get3A_6 = arith.constant 0 : index
    %get3A_7 = arith.constant 0 : index
    %get3A_8 = arith.constant 0 : index
    %get3A_9 = vector.load %arg1[%get3A_5, %get3A_6, %get3A_7, %get3A_8] : memref<3x8x8x1024xf32, #tpu.memory_space<vmem>>, vector<1x8x8x1024xf32>
    %get3A_10 = vector.shape_cast %get3A_9 : vector<1x8x8x1024xf32> to vector<8x8x1024xf32>
    %get3A_11 = arith.constant 2 : index
    %get3A_12 = arith.constant 0 : index
    %get3A_13 = arith.constant 0 : index
    %get3A_14 = arith.constant 0 : index
    %get3A_15 = vector.load %arg1[%get3A_11, %get3A_12, %get3A_13, %get3A_14] : memref<3x8x8x1024xf32, #tpu.memory_space<vmem>>, vector<1x8x8x1024xf32>
    %get3A_16 = vector.shape_cast %get3A_15 : vector<1x8x8x1024xf32> to vector<8x8x1024xf32>
    %broadcast_in_dim3A = arith.constant 1.000000e+10 : f32
    %broadcast_in_dim3A_17 = vector.broadcast %broadcast_in_dim3A : f32 to vector<8x8x1024xf32>
    %swap3A = arith.constant 0 : index
    %swap3A_18 = arith.constant 0 : index
    %swap3A_19 = arith.constant 0 : index
    %swap3A_20 = vector.load %arg3[%swap3A, %swap3A_18, %swap3A_19] : memref<8x8x1024xf32, #tpu.memory_space<vmem>>, vector<8x8x1024xf32>
    tpu.vector_store %arg3[%swap3A, %swap3A_18, %swap3A_19], %broadcast_in_dim3A_17 {strides = array<i32>} : memref<8x8x1024xf32, #tpu.memory_space<vmem>>, vector<8x8x1024xf32>,
    %iota3A = tpu.iota {dimensions = array<i32: 1>} : vector<8x8x1024xi32>
    %mul3A = arith.constant 1024 : i32
    %mul3A_21 = vector.broadcast %mul3A : i32 to vector<8x8x1024xi32>
    %mul3A_22 = arith.muli %iota3A, %mul3A_21 : vector<8x8x1024xi32>
    %iota3A_23 = tpu.iota {dimensions = array<i32: 2>} : vector<8x8x1024xi32>
    %add3A = arith.addi %mul3A_22, %iota3A_23 : vector<8x8x1024xi32>
    %iota3A_24 = tpu.iota {dimensions = array<i32: 1>} : vector<1x512xi32>
    %get3A_25 = arith.constant 0 : index
    %get3A_26 = arith.constant 0 : index
    %get3A_27 = vector.load %arg0[%get3A_25, %get3A_26] : memref<8x1xi32, #tpu.memory_space<vmem>>, vector<8x1xi32>
    %reshape3A = vector.shape_cast %get3A_27 : vector<8x1xi32> to vector<8x1x1xi32>
    %eq3A = vector.broadcast %reshape3A : vector<8x1x1xi32> to vector<8x8x1024xi32>
    %eq3A_28 = arith.cmpi eq, %add3A, %eq3A : vector<8x8x1024xi32>
    %jit3A = arith.constant 0.000000e+00 : f32
    %broadcast_in_dim3A_29 = vector.broadcast %jit3A : f32 to vector<8x8x1024xf32>
    %select_n3A = arith.select %eq3A_28, %get3A_4, %broadcast_in_dim3A_29 : vector<8x8x1024xi1>, vector<8x8x1024xf32>
    %reduce_sum3A = arith.constant dense<0.000000e+00> : vector<8x8xf32>
    %reduce_sum3A_30 = vector.multi_reduction <add>, %select_n3A, %reduce_sum3A [2] : vector<8x8x1024xf32> to vector<8x8xf32>
    %broadcast_in_dim3A_31 = vector.shape_cast %reduce_sum3A_30 : vector<8x8xf32> to vector<8x8x1xf32>
    %reduce_sum3A_32 = arith.constant dense<0.000000e+00> : vector<8x1xf32>
    %reduce_sum3A_33 = vector.multi_reduction <add>, %broadcast_in_dim3A_31, %reduce_sum3A_32 [1] : vector<8x8x1xf32> to vector<8x1xf32>
    %broadcast_in_dim3A_34 = vector.shape_cast %reduce_sum3A_33 : vector<8x1xf32> to vector<8x1x1xf32>
    %jit3A_35 = arith.constant 0.000000e+00 : f32
    %broadcast_in_dim3A_36 = vector.broadcast %jit3A_35 : f32 to vector<8x8x1024xf32>
    %select_n3A_37 = arith.select %eq3A_28, %get3A_10, %broadcast_in_dim3A_36 : vector<8x8x1024xi1>, vector<8x8x1024xf32>
    %reduce_sum3A_38 = arith.constant dense<0.000000e+00> : vector<8x8xf32>
    %reduce_sum3A_39 = vector.multi_reduction <add>, %select_n3A_37, %reduce_sum3A_38 [2] : vector<8x8x1024xf32> to vector<8x8xf32>
    %broadcast_in_dim3A_40 = vector.shape_cast %reduce_sum3A_39 : vector<8x8xf32> to vector<8x8x1xf32>
    %reduce_sum3A_41 = arith.constant dense<0.000000e+00> : vector<8x1xf32>
    %reduce_sum3A_42 = vector.multi_reduction <add>, %broadcast_in_dim3A_40, %reduce_sum3A_41 [1] : vector<8x8x1xf32> to vector<8x1xf32>
    %broadcast_in_dim3A_43 = vector.shape_cast %reduce_sum3A_42 : vector<8x1xf32> to vector<8x1x1xf32>
    %jit3A_44 = arith.constant 0.000000e+00 : f32
    %broadcast_in_dim3A_45 = vector.broadcast %jit3A_44 : f32 to vector<8x8x1024xf32>
    %select_n3A_46 = arith.select %eq3A_28, %get3A_16, %broadcast_in_dim3A_45 : vector<8x8x1024xi1>, vector<8x8x1024xf32>
    %reduce_sum3A_47 = arith.constant dense<0.000000e+00> : vector<8x8xf32>
    %reduce_sum3A_48 = vector.multi_reduction <add>, %select_n3A_46, %reduce_sum3A_47 [2] : vector<8x8x1024xf32> to vector<8x8xf32>
    %broadcast_in_dim3A_49 = vector.shape_cast %reduce_sum3A_48 : vector<8x8xf32> to vector<8x8x1xf32>
    %reduce_sum3A_50 = arith.constant dense<0.000000e+00> : vector<8x1xf32>
    %reduce_sum3A_51 = vector.multi_reduction <add>, %broadcast_in_dim3A_49, %reduce_sum3A_50 [1] : vector<8x8x1xf32> to vector<8x1xf32>
    %broadcast_in_dim3A_52 = vector.shape_cast %reduce_sum3A_51 : vector<8x1xf32> to vector<8x1x1xf32>
    %broadcast_in_dim3A_53 = arith.constant 0 : i32
    %broadcast_in_dim3A_54 = vector.broadcast %broadcast_in_dim3A_53 : i32 to vector<8x512xi32>
    %scan3A = arith.constant 1073741824 : i32
    %scan3A_55 = arith.constant 0 : i32
    %scan3A_56 = arith.constant 512 : i32
    %scan3A_57 = arith.addi %scan3A_55, %scan3A_56 : i32
    %scan3A_58 = arith.constant 1 : i32
    %scan3A_59:5 = scf.for %scan3A_70 = %scan3A_55 to %scan3A_57 step %scan3A_58 iter_args(%scan3A_71 = %reshape3A, %scan3A_72 = %broadcast_in_dim3A_34, %scan3A_73 = %broadcast_in_dim3A_43, %scan3A_74 = %broadcast_in_dim3A_52, %scan3A_75 = %broadcast_in_dim3A_54) -> (vector<8x1x1xi32>, vector<8x1x1xf32>, vector<8x1x1xf32>, vector<8x1x1xf32>, vector<8x512xi32>)  : i32 {
      %sub3A = vector.broadcast %scan3A_72 : vector<8x1x1xf32> to vector<8x8x1024xf32>
      %sub3A_76 = arith.subf %get3A_4, %sub3A : vector<8x8x1024xf32>
      %sub3A_77 = vector.broadcast %scan3A_73 : vector<8x1x1xf32> to vector<8x8x1024xf32>
      %sub3A_78 = arith.subf %get3A_10, %sub3A_77 : vector<8x8x1024xf32>
      %sub3A_79 = vector.broadcast %scan3A_74 : vector<8x1x1xf32> to vector<8x8x1024xf32>
      %sub3A_80 = arith.subf %get3A_16, %sub3A_79 : vector<8x8x1024xf32>
      %mul3A_81 = arith.mulf %sub3A_76, %sub3A_76 : vector<8x8x1024xf32>
      %mul3A_82 = arith.mulf %sub3A_78, %sub3A_78 : vector<8x8x1024xf32>
      %add3A_83 = arith.addf %mul3A_81, %mul3A_82 : vector<8x8x1024xf32>
      %mul3A_84 = arith.mulf %sub3A_80, %sub3A_80 : vector<8x8x1024xf32>
      %add3A_85 = arith.addf %add3A_83, %mul3A_84 : vector<8x8x1024xf32>
      %get3A_86 = arith.constant 0 : index
      %get3A_87 = arith.constant 0 : index
      %get3A_88 = arith.constant 0 : index
      %get3A_89 = vector.load %arg3[%get3A_86, %get3A_87, %get3A_88] : memref<8x8x1024xf32, #tpu.memory_space<vmem>>, vector<8x8x1024xf32>
      %min3A = arith.minimumf %get3A_89, %add3A_85 : vector<8x8x1024xf32>
      %swap3A_90 = arith.constant 0 : index
      %swap3A_91 = arith.constant 0 : index
      %swap3A_92 = arith.constant 0 : index
      %swap3A_93 = vector.load %arg3[%swap3A_90, %swap3A_91, %swap3A_92] : memref<8x8x1024xf32, #tpu.memory_space<vmem>>, vector<8x8x1024xf32>
      tpu.vector_store %arg3[%swap3A_90, %swap3A_91, %swap3A_92], %min3A {strides = array<i32>} : memref<8x8x1024xf32, #tpu.memory_space<vmem>>, vector<8x8x1024xf32>,
      %reduce_max3A = arith.constant dense<0xFF800000> : vector<8x8xf32>
      %reduce_max3A_94 = vector.multi_reduction <maximumf>, %min3A, %reduce_max3A [2] : vector<8x8x1024xf32> to vector<8x8xf32>
      %broadcast_in_dim3A_95 = vector.shape_cast %reduce_max3A_94 : vector<8x8xf32> to vector<8x8x1xf32>
      %reduce_max3A_96 = arith.constant dense<0xFF800000> : vector<8x1xf32>
      %reduce_max3A_97 = vector.multi_reduction <maximumf>, %broadcast_in_dim3A_95, %reduce_max3A_96 [1] : vector<8x8x1xf32> to vector<8x1xf32>
      %broadcast_in_dim3A_98 = vector.shape_cast %reduce_max3A_97 : vector<8x1xf32> to vector<8x1x1xf32>
      %eq3A_99 = vector.broadcast %broadcast_in_dim3A_98 : vector<8x1x1xf32> to vector<8x8x1024xf32>
      %eq3A_100 = arith.cmpf oeq, %min3A, %eq3A_99 : vector<8x8x1024xf32>
      %broadcast_in_dim3A_101 = vector.broadcast %scan3A : i32 to vector<8x8x1024xi32>
      %select_n3A_102 = arith.select %eq3A_100, %add3A, %broadcast_in_dim3A_101 : vector<8x8x1024xi1>, vector<8x8x1024xi32>
      %reduce_min3A = arith.constant dense<2147483647> : vector<8x8xi32>
      %reduce_min3A_103 = vector.multi_reduction <minsi>, %select_n3A_102, %reduce_min3A [2] : vector<8x8x1024xi32> to vector<8x8xi32>
      %broadcast_in_dim3A_104 = vector.shape_cast %reduce_min3A_103 : vector<8x8xi32> to vector<8x8x1xi32>
      %reduce_min3A_105 = arith.constant dense<2147483647> : vector<8x1xi32>
      %reduce_min3A_106 = vector.multi_reduction <minsi>, %broadcast_in_dim3A_104, %reduce_min3A_105 [1] : vector<8x8x1xi32> to vector<8x1xi32>
      %broadcast_in_dim3A_107 = vector.shape_cast %reduce_min3A_106 : vector<8x1xi32> to vector<8x1x1xi32>
      %eq3A_108 = vector.broadcast %broadcast_in_dim3A_107 : vector<8x1x1xi32> to vector<8x8x1024xi32>
      %eq3A_109 = arith.cmpi eq, %add3A, %eq3A_108 : vector<8x8x1024xi32>
      %jit3A_110 = arith.constant 0.000000e+00 : f32
      %broadcast_in_dim3A_111 = vector.broadcast %jit3A_110 : f32 to vector<8x8x1024xf32>
      %select_n3A_112 = arith.select %eq3A_109, %get3A_4, %broadcast_in_dim3A_111 : vector<8x8x1024xi1>, vector<8x8x1024xf32>
      %reduce_sum3A_113 = arith.constant dense<0.000000e+00> : vector<8x8xf32>
      %reduce_sum3A_114 = vector.multi_reduction <add>, %select_n3A_112, %reduce_sum3A_113 [2] : vector<8x8x1024xf32> to vector<8x8xf32>
      %broadcast_in_dim3A_115 = vector.shape_cast %reduce_sum3A_114 : vector<8x8xf32> to vector<8x8x1xf32>
      %reduce_sum3A_116 = arith.constant dense<0.000000e+00> : vector<8x1xf32>
      %reduce_sum3A_117 = vector.multi_reduction <add>, %broadcast_in_dim3A_115, %reduce_sum3A_116 [1] : vector<8x8x1xf32> to vector<8x1xf32>
      %broadcast_in_dim3A_118 = vector.shape_cast %reduce_sum3A_117 : vector<8x1xf32> to vector<8x1x1xf32>
      %jit3A_119 = arith.constant 0.000000e+00 : f32
      %broadcast_in_dim3A_120 = vector.broadcast %jit3A_119 : f32 to vector<8x8x1024xf32>
      %select_n3A_121 = arith.select %eq3A_109, %get3A_10, %broadcast_in_dim3A_120 : vector<8x8x1024xi1>, vector<8x8x1024xf32>
      %reduce_sum3A_122 = arith.constant dense<0.000000e+00> : vector<8x8xf32>
      %reduce_sum3A_123 = vector.multi_reduction <add>, %select_n3A_121, %reduce_sum3A_122 [2] : vector<8x8x1024xf32> to vector<8x8xf32>
      %broadcast_in_dim3A_124 = vector.shape_cast %reduce_sum3A_123 : vector<8x8xf32> to vector<8x8x1xf32>
      %reduce_sum3A_125 = arith.constant dense<0.000000e+00> : vector<8x1xf32>
      %reduce_sum3A_126 = vector.multi_reduction <add>, %broadcast_in_dim3A_124, %reduce_sum3A_125 [1] : vector<8x8x1xf32> to vector<8x1xf32>
      %broadcast_in_dim3A_127 = vector.shape_cast %reduce_sum3A_126 : vector<8x1xf32> to vector<8x1x1xf32>
      %jit3A_128 = arith.constant 0.000000e+00 : f32
      %broadcast_in_dim3A_129 = vector.broadcast %jit3A_128 : f32 to vector<8x8x1024xf32>
      %select_n3A_130 = arith.select %eq3A_109, %get3A_16, %broadcast_in_dim3A_129 : vector<8x8x1024xi1>, vector<8x8x1024xf32>
      %reduce_sum3A_131 = arith.constant dense<0.000000e+00> : vector<8x8xf32>
      %reduce_sum3A_132 = vector.multi_reduction <add>, %select_n3A_130, %reduce_sum3A_131 [2] : vector<8x8x1024xf32> to vector<8x8xf32>
      %broadcast_in_dim3A_133 = vector.shape_cast %reduce_sum3A_132 : vector<8x8xf32> to vector<8x8x1xf32>
      %reduce_sum3A_134 = arith.constant dense<0.000000e+00> : vector<8x1xf32>
      %reduce_sum3A_135 = vector.multi_reduction <add>, %broadcast_in_dim3A_133, %reduce_sum3A_134 [1] : vector<8x8x1xf32> to vector<8x1xf32>
      %broadcast_in_dim3A_136 = vector.shape_cast %reduce_sum3A_135 : vector<8x1xf32> to vector<8x1x1xf32>
      %eq3A_137 = vector.broadcast %scan3A_70 : i32 to vector<1x512xi32>
      %eq3A_138 = arith.cmpi eq, %iota3A_24, %eq3A_137 : vector<1x512xi32>
      %squeeze3A = vector.shape_cast %scan3A_71 : vector<8x1x1xi32> to vector<8x1xi32>
      %broadcast_in_dim3A_139 = vector.shape_cast %eq3A_138 : vector<1x512xi1> to vector<1x512xi1>
      %broadcast_in_dim3A_140 = vector.broadcast %broadcast_in_dim3A_139 : vector<1x512xi1> to vector<8x512xi1>
      %broadcast_in_dim3A_141 = vector.shape_cast %squeeze3A : vector<8x1xi32> to vector<8x1xi32>
      %broadcast_in_dim3A_142 = vector.broadcast %broadcast_in_dim3A_141 : vector<8x1xi32> to vector<8x512xi32>
      %select_n3A_143 = arith.select %broadcast_in_dim3A_140, %broadcast_in_dim3A_142, %scan3A_75 : vector<8x512xi1>, vector<8x512xi32>
      scf.yield %broadcast_in_dim3A_107, %broadcast_in_dim3A_118, %broadcast_in_dim3A_127, %broadcast_in_dim3A_136, %select_n3A_143 : vector<8x1x1xi32>, vector<8x1x1xf32>, vector<8x1x1xf32>, vector<8x1x1xf32>, vector<8x512xi32>
    }
    %scan3A_60 = arith.constant 512 : i32
    %iota3A_61 = tpu.iota {dimensions = array<i32: 0>} : vector<8x1xi32>
    %mul3A_62 = arith.constant 8192 : i32
    %mul3A_63 = vector.broadcast %mul3A_62 : i32 to vector<8x1xi32>
    %mul3A_64 = arith.muli %iota3A_61, %mul3A_63 : vector<8x1xi32>
    %add3A_65 = vector.broadcast %mul3A_64 : vector<8x1xi32> to vector<8x512xi32>
    %add3A_66 = arith.addi %scan3A_59#4, %add3A_65 : vector<8x512xi32>
    %swap3A_67 = arith.constant 0 : index
    %swap3A_68 = arith.constant 0 : index
    %swap3A_69 = vector.load %arg2[%swap3A_67, %swap3A_68] : memref<8x512xi32, #tpu.memory_space<vmem>>, vector<8x512xi32>
    tpu.vector_store %arg2[%swap3A_67, %swap3A_68], %add3A_66 {strides = array<i32>} : memref<8x512xi32, #tpu.memory_space<vmem>>, vector<8x512xi32>,
    return
  }
}

module attributes {stable_mosaic.version = 14 : i64} {
  func.func @_knn_body(%arg0: i32, %arg1: i32, %arg2: memref<1x128x3xf32, #tpu.memory_space<vmem>>, %arg3: memref<1x3x8192xf32, #tpu.memory_space<vmem>>, %arg4: memref<1x128x32xi32, #tpu.memory_space<vmem>>, %arg5: memref<128x32x256xf32, #tpu.memory_space<vmem>>, %arg6: memref<128x256xf32, #tpu.memory_space<vmem>>, %arg7: memref<128x256xi32, #tpu.memory_space<vmem>>) attributes {dimension_semantics = [#tpu.dimension_semantics<arbitrary>, #tpu.dimension_semantics<arbitrary>], iteration_bounds = array<i64: 8, 4>, scalar_prefetch = 0 : i64, scratch_operands = 3 : i64, tpu.core_type = #tpu.core_type<tc>, window_params = [{transform_indices = @transform_0, window_bounds = array<i64: 1, 128, 3>}, {transform_indices = @transform_1, window_bounds = array<i64: 1, 3, 8192>}, {transform_indices = @transform_2, window_bounds = array<i64: 1, 128, 32>}]} {
    %get3A = arith.constant 0 : index
    %get3A_0 = arith.constant 0 : index
    %get3A_1 = arith.constant 0 : index
    %get3A_2 = vector.load %arg2[%get3A, %get3A_0, %get3A_1] : memref<1x128x3xf32, #tpu.memory_space<vmem>>, vector<1x128x3xf32>
    %get3A_3 = vector.shape_cast %get3A_2 : vector<1x128x3xf32> to vector<128x3xf32>
    %get3A_4 = arith.constant 0 : index
    %get3A_5 = arith.constant 0 : index
    %get3A_6 = arith.constant 0 : index
    %get3A_7 = vector.load %arg3[%get3A_4, %get3A_5, %get3A_6] : memref<1x3x8192xf32, #tpu.memory_space<vmem>>, vector<1x3x8192xf32>
    %get3A_8 = vector.shape_cast %get3A_7 : vector<1x3x8192xf32> to vector<3x8192xf32>
    %slice3A = vector.extract_strided_slice %get3A_3 {offsets = [0, 0], sizes = [128, 1], strides = [1, 1]} : vector<128x3xf32> to vector<128x1xf32>
    %slice3A_9 = vector.extract_strided_slice %get3A_3 {offsets = [0, 1], sizes = [128, 1], strides = [1, 1]} : vector<128x3xf32> to vector<128x1xf32>
    %slice3A_10 = vector.extract_strided_slice %get3A_3 {offsets = [0, 2], sizes = [128, 1], strides = [1, 1]} : vector<128x3xf32> to vector<128x1xf32>
    %mul3A = arith.mulf %slice3A, %slice3A : vector<128x1xf32>
    %mul3A_11 = arith.mulf %slice3A_9, %slice3A_9 : vector<128x1xf32>
    %add3A = arith.addf %mul3A, %mul3A_11 : vector<128x1xf32>
    %mul3A_12 = arith.mulf %slice3A_10, %slice3A_10 : vector<128x1xf32>
    %add3A_13 = arith.addf %add3A, %mul3A_12 : vector<128x1xf32>
    %slice3A_14 = vector.extract_strided_slice %get3A_8 {offsets = [0, 0], sizes = [1, 8192], strides = [1, 1]} : vector<3x8192xf32> to vector<1x8192xf32>
    %slice3A_15 = vector.extract_strided_slice %get3A_8 {offsets = [1, 0], sizes = [1, 8192], strides = [1, 1]} : vector<3x8192xf32> to vector<1x8192xf32>
    %slice3A_16 = vector.extract_strided_slice %get3A_8 {offsets = [2, 0], sizes = [1, 8192], strides = [1, 1]} : vector<3x8192xf32> to vector<1x8192xf32>
    %mul3A_17 = arith.mulf %slice3A_14, %slice3A_14 : vector<1x8192xf32>
    %mul3A_18 = arith.mulf %slice3A_15, %slice3A_15 : vector<1x8192xf32>
    %add3A_19 = arith.addf %mul3A_17, %mul3A_18 : vector<1x8192xf32>
    %mul3A_20 = arith.mulf %slice3A_16, %slice3A_16 : vector<1x8192xf32>
    %add3A_21 = arith.addf %add3A_19, %mul3A_20 : vector<1x8192xf32>
    %iota3A = tpu.iota {dimensions = array<i32: 1>} : vector<1x32x256xi32>
    %mul3A_22 = arith.constant 256 : i32
    %mul3A_23 = vector.broadcast %mul3A_22 : i32 to vector<1x32x256xi32>
    %mul3A_24 = arith.muli %iota3A, %mul3A_23 : vector<1x32x256xi32>
    %iota3A_25 = tpu.iota {dimensions = array<i32: 2>} : vector<1x32x256xi32>
    %add3A_26 = arith.addi %mul3A_24, %iota3A_25 : vector<1x32x256xi32>
    %iota3A_27 = tpu.iota {dimensions = array<i32: 1>} : vector<1x32xi32>
    %dot_general3A = arith.constant dense<0.000000e+00> : vector<128x8192xf32>
    %dot_general3A_28 = tpu.matmul %get3A_3, %get3A_8, %dot_general3A {dimension_numbers = #tpu.dot_dimension_numbers<[1], [0], [0], [1], [0, 0, 1, 1], [], []>, transpose_lhs_hint = false} : vector<128x3xf32>, vector<3x8192xf32>, vector<128x8192xf32> -> vector<128x8192xf32>
    %mul3A_29 = arith.constant -2.000000e+00 : f32
    %mul3A_30 = vector.broadcast %mul3A_29 : f32 to vector<128x8192xf32>
    %mul3A_31 = arith.mulf %mul3A_30, %dot_general3A_28 : vector<128x8192xf32>
    %add3A_32 = vector.broadcast %add3A_13 : vector<128x1xf32> to vector<128x8192xf32>
    %add3A_33 = arith.addf %mul3A_31, %add3A_32 : vector<128x8192xf32>
    %add3A_34 = vector.broadcast %add3A_21 : vector<1x8192xf32> to vector<128x8192xf32>
    %add3A_35 = arith.addf %add3A_33, %add3A_34 : vector<128x8192xf32>
    %reshape3A = vector.shape_cast %add3A_35 : vector<128x8192xf32> to vector<128x32x256xf32>
    %swap3A = arith.constant 0 : index
    %swap3A_36 = arith.constant 0 : index
    %swap3A_37 = arith.constant 0 : index
    %swap3A_38 = vector.load %arg5[%swap3A, %swap3A_36, %swap3A_37] : memref<128x32x256xf32, #tpu.memory_space<vmem>>, vector<128x32x256xf32>
    tpu.vector_store %arg5[%swap3A, %swap3A_36, %swap3A_37], %reshape3A {strides = array<i32>} : memref<128x32x256xf32, #tpu.memory_space<vmem>>, vector<128x32x256xf32>,
    %get3A_39 = arith.constant 0 : index
    %get3A_40 = arith.constant 0 : index
    %get3A_41 = arith.constant 0 : index
    %get3A_42 = vector.load %arg5[%get3A_39, %get3A_40, %get3A_41] : memref<128x32x256xf32, #tpu.memory_space<vmem>>, vector<128x32x256xf32>
    %reduce_min3A = arith.constant dense<0x7F800000> : vector<128x32xf32>
    %reduce_min3A_43 = vector.multi_reduction <minimumf>, %get3A_42, %reduce_min3A [2] : vector<128x32x256xf32> to vector<128x32xf32>
    %broadcast_in_dim3A = vector.shape_cast %reduce_min3A_43 : vector<128x32xf32> to vector<128x32x1xf32>
    %eq3A = vector.broadcast %broadcast_in_dim3A : vector<128x32x1xf32> to vector<128x32x256xf32>
    %eq3A_44 = arith.cmpf oeq, %get3A_42, %eq3A : vector<128x32x256xf32>
    %jit3A = arith.constant 1073741824 : i32
    %broadcast_in_dim3A_45 = vector.shape_cast %add3A_26 : vector<1x32x256xi32> to vector<1x32x256xi32>
    %broadcast_in_dim3A_46 = vector.broadcast %broadcast_in_dim3A_45 : vector<1x32x256xi32> to vector<128x32x256xi32>
    %broadcast_in_dim3A_47 = vector.broadcast %jit3A : i32 to vector<128x32x256xi32>
    %select_n3A = arith.select %eq3A_44, %broadcast_in_dim3A_46, %broadcast_in_dim3A_47 : vector<128x32x256xi1>, vector<128x32x256xi32>
    %reduce_min3A_48 = arith.constant dense<2147483647> : vector<128x32xi32>
    %reduce_min3A_49 = vector.multi_reduction <minsi>, %select_n3A, %reduce_min3A_48 [2] : vector<128x32x256xi32> to vector<128x32xi32>
    %broadcast_in_dim3A_50 = vector.shape_cast %reduce_min3A_49 : vector<128x32xi32> to vector<128x32x1xi32>
    %eq3A_51 = vector.broadcast %add3A_26 : vector<1x32x256xi32> to vector<128x32x256xi32>
    %eq3A_52 = vector.broadcast %broadcast_in_dim3A_50 : vector<128x32x1xi32> to vector<128x32x256xi32>
    %eq3A_53 = arith.cmpi eq, %eq3A_51, %eq3A_52 : vector<128x32x256xi32>
    %jit3A_54 = arith.constant 0x7F800000 : f32
    %broadcast_in_dim3A_55 = vector.broadcast %jit3A_54 : f32 to vector<128x32x256xf32>
    %select_n3A_56 = arith.select %eq3A_53, %broadcast_in_dim3A_55, %get3A_42 : vector<128x32x256xi1>, vector<128x32x256xf32>
    %swap3A_57 = arith.constant 0 : index
    %swap3A_58 = arith.constant 0 : index
    %swap3A_59 = arith.constant 0 : index
    %swap3A_60 = vector.load %arg5[%swap3A_57, %swap3A_58, %swap3A_59] : memref<128x32x256xf32, #tpu.memory_space<vmem>>, vector<128x32x256xf32>
    tpu.vector_store %arg5[%swap3A_57, %swap3A_58, %swap3A_59], %select_n3A_56 {strides = array<i32>} : memref<128x32x256xf32, #tpu.memory_space<vmem>>, vector<128x32x256xf32>,
    %squeeze3A = vector.shape_cast %broadcast_in_dim3A : vector<128x32x1xf32> to vector<128x32xf32>
    %squeeze3A_61 = vector.shape_cast %broadcast_in_dim3A_50 : vector<128x32x1xi32> to vector<128x32xi32>
    %get3A_62 = arith.constant 0 : index
    %get3A_63 = arith.constant 0 : index
    %get3A_64 = arith.constant 0 : index
    %get3A_65 = vector.load %arg5[%get3A_62, %get3A_63, %get3A_64] : memref<128x32x256xf32, #tpu.memory_space<vmem>>, vector<128x32x256xf32>
    %reduce_min3A_66 = arith.constant dense<0x7F800000> : vector<128x32xf32>
    %reduce_min3A_67 = vector.multi_reduction <minimumf>, %get3A_65, %reduce_min3A_66 [2] : vector<128x32x256xf32> to vector<128x32xf32>
    %broadcast_in_dim3A_68 = vector.shape_cast %reduce_min3A_67 : vector<128x32xf32> to vector<128x32x1xf32>
    %eq3A_69 = vector.broadcast %broadcast_in_dim3A_68 : vector<128x32x1xf32> to vector<128x32x256xf32>
    %eq3A_70 = arith.cmpf oeq, %get3A_65, %eq3A_69 : vector<128x32x256xf32>
    %jit3A_71 = arith.constant 1073741824 : i32
    %broadcast_in_dim3A_72 = vector.shape_cast %add3A_26 : vector<1x32x256xi32> to vector<1x32x256xi32>
    %broadcast_in_dim3A_73 = vector.broadcast %broadcast_in_dim3A_72 : vector<1x32x256xi32> to vector<128x32x256xi32>
    %broadcast_in_dim3A_74 = vector.broadcast %jit3A_71 : i32 to vector<128x32x256xi32>
    %select_n3A_75 = arith.select %eq3A_70, %broadcast_in_dim3A_73, %broadcast_in_dim3A_74 : vector<128x32x256xi1>, vector<128x32x256xi32>
    %reduce_min3A_76 = arith.constant dense<2147483647> : vector<128x32xi32>
    %reduce_min3A_77 = vector.multi_reduction <minsi>, %select_n3A_75, %reduce_min3A_76 [2] : vector<128x32x256xi32> to vector<128x32xi32>
    %broadcast_in_dim3A_78 = vector.shape_cast %reduce_min3A_77 : vector<128x32xi32> to vector<128x32x1xi32>
    %eq3A_79 = vector.broadcast %add3A_26 : vector<1x32x256xi32> to vector<128x32x256xi32>
    %eq3A_80 = vector.broadcast %broadcast_in_dim3A_78 : vector<128x32x1xi32> to vector<128x32x256xi32>
    %eq3A_81 = arith.cmpi eq, %eq3A_79, %eq3A_80 : vector<128x32x256xi32>
    %jit3A_82 = arith.constant 0x7F800000 : f32
    %broadcast_in_dim3A_83 = vector.broadcast %jit3A_82 : f32 to vector<128x32x256xf32>
    %select_n3A_84 = arith.select %eq3A_81, %broadcast_in_dim3A_83, %get3A_65 : vector<128x32x256xi1>, vector<128x32x256xf32>
    %swap3A_85 = arith.constant 0 : index
    %swap3A_86 = arith.constant 0 : index
    %swap3A_87 = arith.constant 0 : index
    %swap3A_88 = vector.load %arg5[%swap3A_85, %swap3A_86, %swap3A_87] : memref<128x32x256xf32, #tpu.memory_space<vmem>>, vector<128x32x256xf32>
    tpu.vector_store %arg5[%swap3A_85, %swap3A_86, %swap3A_87], %select_n3A_84 {strides = array<i32>} : memref<128x32x256xf32, #tpu.memory_space<vmem>>, vector<128x32x256xf32>,
    %squeeze3A_89 = vector.shape_cast %broadcast_in_dim3A_68 : vector<128x32x1xf32> to vector<128x32xf32>
    %squeeze3A_90 = vector.shape_cast %broadcast_in_dim3A_78 : vector<128x32x1xi32> to vector<128x32xi32>
    %get3A_91 = arith.constant 0 : index
    %get3A_92 = arith.constant 0 : index
    %get3A_93 = arith.constant 0 : index
    %get3A_94 = vector.load %arg5[%get3A_91, %get3A_92, %get3A_93] : memref<128x32x256xf32, #tpu.memory_space<vmem>>, vector<128x32x256xf32>
    %reduce_min3A_95 = arith.constant dense<0x7F800000> : vector<128x32xf32>
    %reduce_min3A_96 = vector.multi_reduction <minimumf>, %get3A_94, %reduce_min3A_95 [2] : vector<128x32x256xf32> to vector<128x32xf32>
    %broadcast_in_dim3A_97 = vector.shape_cast %reduce_min3A_96 : vector<128x32xf32> to vector<128x32x1xf32>
    %eq3A_98 = vector.broadcast %broadcast_in_dim3A_97 : vector<128x32x1xf32> to vector<128x32x256xf32>
    %eq3A_99 = arith.cmpf oeq, %get3A_94, %eq3A_98 : vector<128x32x256xf32>
    %jit3A_100 = arith.constant 1073741824 : i32
    %broadcast_in_dim3A_101 = vector.shape_cast %add3A_26 : vector<1x32x256xi32> to vector<1x32x256xi32>
    %broadcast_in_dim3A_102 = vector.broadcast %broadcast_in_dim3A_101 : vector<1x32x256xi32> to vector<128x32x256xi32>
    %broadcast_in_dim3A_103 = vector.broadcast %jit3A_100 : i32 to vector<128x32x256xi32>
    %select_n3A_104 = arith.select %eq3A_99, %broadcast_in_dim3A_102, %broadcast_in_dim3A_103 : vector<128x32x256xi1>, vector<128x32x256xi32>
    %reduce_min3A_105 = arith.constant dense<2147483647> : vector<128x32xi32>
    %reduce_min3A_106 = vector.multi_reduction <minsi>, %select_n3A_104, %reduce_min3A_105 [2] : vector<128x32x256xi32> to vector<128x32xi32>
    %broadcast_in_dim3A_107 = vector.shape_cast %reduce_min3A_106 : vector<128x32xi32> to vector<128x32x1xi32>
    %eq3A_108 = vector.broadcast %add3A_26 : vector<1x32x256xi32> to vector<128x32x256xi32>
    %eq3A_109 = vector.broadcast %broadcast_in_dim3A_107 : vector<128x32x1xi32> to vector<128x32x256xi32>
    %eq3A_110 = arith.cmpi eq, %eq3A_108, %eq3A_109 : vector<128x32x256xi32>
    %jit3A_111 = arith.constant 0x7F800000 : f32
    %broadcast_in_dim3A_112 = vector.broadcast %jit3A_111 : f32 to vector<128x32x256xf32>
    %select_n3A_113 = arith.select %eq3A_110, %broadcast_in_dim3A_112, %get3A_94 : vector<128x32x256xi1>, vector<128x32x256xf32>
    %swap3A_114 = arith.constant 0 : index
    %swap3A_115 = arith.constant 0 : index
    %swap3A_116 = arith.constant 0 : index
    %swap3A_117 = vector.load %arg5[%swap3A_114, %swap3A_115, %swap3A_116] : memref<128x32x256xf32, #tpu.memory_space<vmem>>, vector<128x32x256xf32>
    tpu.vector_store %arg5[%swap3A_114, %swap3A_115, %swap3A_116], %select_n3A_113 {strides = array<i32>} : memref<128x32x256xf32, #tpu.memory_space<vmem>>, vector<128x32x256xf32>,
    %squeeze3A_118 = vector.shape_cast %broadcast_in_dim3A_97 : vector<128x32x1xf32> to vector<128x32xf32>
    %squeeze3A_119 = vector.shape_cast %broadcast_in_dim3A_107 : vector<128x32x1xi32> to vector<128x32xi32>
    %get3A_120 = arith.constant 0 : index
    %get3A_121 = arith.constant 0 : index
    %get3A_122 = arith.constant 0 : index
    %get3A_123 = vector.load %arg5[%get3A_120, %get3A_121, %get3A_122] : memref<128x32x256xf32, #tpu.memory_space<vmem>>, vector<128x32x256xf32>
    %reduce_min3A_124 = arith.constant dense<0x7F800000> : vector<128x32xf32>
    %reduce_min3A_125 = vector.multi_reduction <minimumf>, %get3A_123, %reduce_min3A_124 [2] : vector<128x32x256xf32> to vector<128x32xf32>
    %broadcast_in_dim3A_126 = vector.shape_cast %reduce_min3A_125 : vector<128x32xf32> to vector<128x32x1xf32>
    %eq3A_127 = vector.broadcast %broadcast_in_dim3A_126 : vector<128x32x1xf32> to vector<128x32x256xf32>
    %eq3A_128 = arith.cmpf oeq, %get3A_123, %eq3A_127 : vector<128x32x256xf32>
    %jit3A_129 = arith.constant 1073741824 : i32
    %broadcast_in_dim3A_130 = vector.shape_cast %add3A_26 : vector<1x32x256xi32> to vector<1x32x256xi32>
    %broadcast_in_dim3A_131 = vector.broadcast %broadcast_in_dim3A_130 : vector<1x32x256xi32> to vector<128x32x256xi32>
    %broadcast_in_dim3A_132 = vector.broadcast %jit3A_129 : i32 to vector<128x32x256xi32>
    %select_n3A_133 = arith.select %eq3A_128, %broadcast_in_dim3A_131, %broadcast_in_dim3A_132 : vector<128x32x256xi1>, vector<128x32x256xi32>
    %reduce_min3A_134 = arith.constant dense<2147483647> : vector<128x32xi32>
    %reduce_min3A_135 = vector.multi_reduction <minsi>, %select_n3A_133, %reduce_min3A_134 [2] : vector<128x32x256xi32> to vector<128x32xi32>
    %broadcast_in_dim3A_136 = vector.shape_cast %reduce_min3A_135 : vector<128x32xi32> to vector<128x32x1xi32>
    %eq3A_137 = vector.broadcast %add3A_26 : vector<1x32x256xi32> to vector<128x32x256xi32>
    %eq3A_138 = vector.broadcast %broadcast_in_dim3A_136 : vector<128x32x1xi32> to vector<128x32x256xi32>
    %eq3A_139 = arith.cmpi eq, %eq3A_137, %eq3A_138 : vector<128x32x256xi32>
    %jit3A_140 = arith.constant 0x7F800000 : f32
    %broadcast_in_dim3A_141 = vector.broadcast %jit3A_140 : f32 to vector<128x32x256xf32>
    %select_n3A_142 = arith.select %eq3A_139, %broadcast_in_dim3A_141, %get3A_123 : vector<128x32x256xi1>, vector<128x32x256xf32>
    %swap3A_143 = arith.constant 0 : index
    %swap3A_144 = arith.constant 0 : index
    %swap3A_145 = arith.constant 0 : index
    %swap3A_146 = vector.load %arg5[%swap3A_143, %swap3A_144, %swap3A_145] : memref<128x32x256xf32, #tpu.memory_space<vmem>>, vector<128x32x256xf32>
    tpu.vector_store %arg5[%swap3A_143, %swap3A_144, %swap3A_145], %select_n3A_142 {strides = array<i32>} : memref<128x32x256xf32, #tpu.memory_space<vmem>>, vector<128x32x256xf32>,
    %squeeze3A_147 = vector.shape_cast %broadcast_in_dim3A_126 : vector<128x32x1xf32> to vector<128x32xf32>
    %squeeze3A_148 = vector.shape_cast %broadcast_in_dim3A_136 : vector<128x32x1xi32> to vector<128x32xi32>
    %get3A_149 = arith.constant 0 : index
    %get3A_150 = arith.constant 0 : index
    %get3A_151 = arith.constant 0 : index
    %get3A_152 = vector.load %arg5[%get3A_149, %get3A_150, %get3A_151] : memref<128x32x256xf32, #tpu.memory_space<vmem>>, vector<128x32x256xf32>
    %reduce_min3A_153 = arith.constant dense<0x7F800000> : vector<128x32xf32>
    %reduce_min3A_154 = vector.multi_reduction <minimumf>, %get3A_152, %reduce_min3A_153 [2] : vector<128x32x256xf32> to vector<128x32xf32>
    %broadcast_in_dim3A_155 = vector.shape_cast %reduce_min3A_154 : vector<128x32xf32> to vector<128x32x1xf32>
    %eq3A_156 = vector.broadcast %broadcast_in_dim3A_155 : vector<128x32x1xf32> to vector<128x32x256xf32>
    %eq3A_157 = arith.cmpf oeq, %get3A_152, %eq3A_156 : vector<128x32x256xf32>
    %jit3A_158 = arith.constant 1073741824 : i32
    %broadcast_in_dim3A_159 = vector.shape_cast %add3A_26 : vector<1x32x256xi32> to vector<1x32x256xi32>
    %broadcast_in_dim3A_160 = vector.broadcast %broadcast_in_dim3A_159 : vector<1x32x256xi32> to vector<128x32x256xi32>
    %broadcast_in_dim3A_161 = vector.broadcast %jit3A_158 : i32 to vector<128x32x256xi32>
    %select_n3A_162 = arith.select %eq3A_157, %broadcast_in_dim3A_160, %broadcast_in_dim3A_161 : vector<128x32x256xi1>, vector<128x32x256xi32>
    %reduce_min3A_163 = arith.constant dense<2147483647> : vector<128x32xi32>
    %reduce_min3A_164 = vector.multi_reduction <minsi>, %select_n3A_162, %reduce_min3A_163 [2] : vector<128x32x256xi32> to vector<128x32xi32>
    %broadcast_in_dim3A_165 = vector.shape_cast %reduce_min3A_164 : vector<128x32xi32> to vector<128x32x1xi32>
    %eq3A_166 = vector.broadcast %add3A_26 : vector<1x32x256xi32> to vector<128x32x256xi32>
    %eq3A_167 = vector.broadcast %broadcast_in_dim3A_165 : vector<128x32x1xi32> to vector<128x32x256xi32>
    %eq3A_168 = arith.cmpi eq, %eq3A_166, %eq3A_167 : vector<128x32x256xi32>
    %jit3A_169 = arith.constant 0x7F800000 : f32
    %broadcast_in_dim3A_170 = vector.broadcast %jit3A_169 : f32 to vector<128x32x256xf32>
    %select_n3A_171 = arith.select %eq3A_168, %broadcast_in_dim3A_170, %get3A_152 : vector<128x32x256xi1>, vector<128x32x256xf32>
    %swap3A_172 = arith.constant 0 : index
    %swap3A_173 = arith.constant 0 : index
    %swap3A_174 = arith.constant 0 : index
    %swap3A_175 = vector.load %arg5[%swap3A_172, %swap3A_173, %swap3A_174] : memref<128x32x256xf32, #tpu.memory_space<vmem>>, vector<128x32x256xf32>
    tpu.vector_store %arg5[%swap3A_172, %swap3A_173, %swap3A_174], %select_n3A_171 {strides = array<i32>} : memref<128x32x256xf32, #tpu.memory_space<vmem>>, vector<128x32x256xf32>,
    %squeeze3A_176 = vector.shape_cast %broadcast_in_dim3A_155 : vector<128x32x1xf32> to vector<128x32xf32>
    %squeeze3A_177 = vector.shape_cast %broadcast_in_dim3A_165 : vector<128x32x1xi32> to vector<128x32xi32>
    %get3A_178 = arith.constant 0 : index
    %get3A_179 = arith.constant 0 : index
    %get3A_180 = arith.constant 0 : index
    %get3A_181 = vector.load %arg5[%get3A_178, %get3A_179, %get3A_180] : memref<128x32x256xf32, #tpu.memory_space<vmem>>, vector<128x32x256xf32>
    %reduce_min3A_182 = arith.constant dense<0x7F800000> : vector<128x32xf32>
    %reduce_min3A_183 = vector.multi_reduction <minimumf>, %get3A_181, %reduce_min3A_182 [2] : vector<128x32x256xf32> to vector<128x32xf32>
    %broadcast_in_dim3A_184 = vector.shape_cast %reduce_min3A_183 : vector<128x32xf32> to vector<128x32x1xf32>
    %eq3A_185 = vector.broadcast %broadcast_in_dim3A_184 : vector<128x32x1xf32> to vector<128x32x256xf32>
    %eq3A_186 = arith.cmpf oeq, %get3A_181, %eq3A_185 : vector<128x32x256xf32>
    %jit3A_187 = arith.constant 1073741824 : i32
    %broadcast_in_dim3A_188 = vector.shape_cast %add3A_26 : vector<1x32x256xi32> to vector<1x32x256xi32>
    %broadcast_in_dim3A_189 = vector.broadcast %broadcast_in_dim3A_188 : vector<1x32x256xi32> to vector<128x32x256xi32>
    %broadcast_in_dim3A_190 = vector.broadcast %jit3A_187 : i32 to vector<128x32x256xi32>
    %select_n3A_191 = arith.select %eq3A_186, %broadcast_in_dim3A_189, %broadcast_in_dim3A_190 : vector<128x32x256xi1>, vector<128x32x256xi32>
    %reduce_min3A_192 = arith.constant dense<2147483647> : vector<128x32xi32>
    %reduce_min3A_193 = vector.multi_reduction <minsi>, %select_n3A_191, %reduce_min3A_192 [2] : vector<128x32x256xi32> to vector<128x32xi32>
    %broadcast_in_dim3A_194 = vector.shape_cast %reduce_min3A_193 : vector<128x32xi32> to vector<128x32x1xi32>
    %eq3A_195 = vector.broadcast %add3A_26 : vector<1x32x256xi32> to vector<128x32x256xi32>
    %eq3A_196 = vector.broadcast %broadcast_in_dim3A_194 : vector<128x32x1xi32> to vector<128x32x256xi32>
    %eq3A_197 = arith.cmpi eq, %eq3A_195, %eq3A_196 : vector<128x32x256xi32>
    %jit3A_198 = arith.constant 0x7F800000 : f32
    %broadcast_in_dim3A_199 = vector.broadcast %jit3A_198 : f32 to vector<128x32x256xf32>
    %select_n3A_200 = arith.select %eq3A_197, %broadcast_in_dim3A_199, %get3A_181 : vector<128x32x256xi1>, vector<128x32x256xf32>
    %swap3A_201 = arith.constant 0 : index
    %swap3A_202 = arith.constant 0 : index
    %swap3A_203 = arith.constant 0 : index
    %swap3A_204 = vector.load %arg5[%swap3A_201, %swap3A_202, %swap3A_203] : memref<128x32x256xf32, #tpu.memory_space<vmem>>, vector<128x32x256xf32>
    tpu.vector_store %arg5[%swap3A_201, %swap3A_202, %swap3A_203], %select_n3A_200 {strides = array<i32>} : memref<128x32x256xf32, #tpu.memory_space<vmem>>, vector<128x32x256xf32>,
    %squeeze3A_205 = vector.shape_cast %broadcast_in_dim3A_184 : vector<128x32x1xf32> to vector<128x32xf32>
    %squeeze3A_206 = vector.shape_cast %broadcast_in_dim3A_194 : vector<128x32x1xi32> to vector<128x32xi32>
    %get3A_207 = arith.constant 0 : index
    %get3A_208 = arith.constant 0 : index
    %get3A_209 = arith.constant 0 : index
    %get3A_210 = vector.load %arg5[%get3A_207, %get3A_208, %get3A_209] : memref<128x32x256xf32, #tpu.memory_space<vmem>>, vector<128x32x256xf32>
    %reduce_min3A_211 = arith.constant dense<0x7F800000> : vector<128x32xf32>
    %reduce_min3A_212 = vector.multi_reduction <minimumf>, %get3A_210, %reduce_min3A_211 [2] : vector<128x32x256xf32> to vector<128x32xf32>
    %broadcast_in_dim3A_213 = vector.shape_cast %reduce_min3A_212 : vector<128x32xf32> to vector<128x32x1xf32>
    %eq3A_214 = vector.broadcast %broadcast_in_dim3A_213 : vector<128x32x1xf32> to vector<128x32x256xf32>
    %eq3A_215 = arith.cmpf oeq, %get3A_210, %eq3A_214 : vector<128x32x256xf32>
    %jit3A_216 = arith.constant 1073741824 : i32
    %broadcast_in_dim3A_217 = vector.shape_cast %add3A_26 : vector<1x32x256xi32> to vector<1x32x256xi32>
    %broadcast_in_dim3A_218 = vector.broadcast %broadcast_in_dim3A_217 : vector<1x32x256xi32> to vector<128x32x256xi32>
    %broadcast_in_dim3A_219 = vector.broadcast %jit3A_216 : i32 to vector<128x32x256xi32>
    %select_n3A_220 = arith.select %eq3A_215, %broadcast_in_dim3A_218, %broadcast_in_dim3A_219 : vector<128x32x256xi1>, vector<128x32x256xi32>
    %reduce_min3A_221 = arith.constant dense<2147483647> : vector<128x32xi32>
    %reduce_min3A_222 = vector.multi_reduction <minsi>, %select_n3A_220, %reduce_min3A_221 [2] : vector<128x32x256xi32> to vector<128x32xi32>
    %broadcast_in_dim3A_223 = vector.shape_cast %reduce_min3A_222 : vector<128x32xi32> to vector<128x32x1xi32>
    %eq3A_224 = vector.broadcast %add3A_26 : vector<1x32x256xi32> to vector<128x32x256xi32>
    %eq3A_225 = vector.broadcast %broadcast_in_dim3A_223 : vector<128x32x1xi32> to vector<128x32x256xi32>
    %eq3A_226 = arith.cmpi eq, %eq3A_224, %eq3A_225 : vector<128x32x256xi32>
    %jit3A_227 = arith.constant 0x7F800000 : f32
    %broadcast_in_dim3A_228 = vector.broadcast %jit3A_227 : f32 to vector<128x32x256xf32>
    %select_n3A_229 = arith.select %eq3A_226, %broadcast_in_dim3A_228, %get3A_210 : vector<128x32x256xi1>, vector<128x32x256xf32>
    %swap3A_230 = arith.constant 0 : index
    %swap3A_231 = arith.constant 0 : index
    %swap3A_232 = arith.constant 0 : index
    %swap3A_233 = vector.load %arg5[%swap3A_230, %swap3A_231, %swap3A_232] : memref<128x32x256xf32, #tpu.memory_space<vmem>>, vector<128x32x256xf32>
    tpu.vector_store %arg5[%swap3A_230, %swap3A_231, %swap3A_232], %select_n3A_229 {strides = array<i32>} : memref<128x32x256xf32, #tpu.memory_space<vmem>>, vector<128x32x256xf32>,
    %squeeze3A_234 = vector.shape_cast %broadcast_in_dim3A_213 : vector<128x32x1xf32> to vector<128x32xf32>
    %squeeze3A_235 = vector.shape_cast %broadcast_in_dim3A_223 : vector<128x32x1xi32> to vector<128x32xi32>
    %get3A_236 = arith.constant 0 : index
    %get3A_237 = arith.constant 0 : index
    %get3A_238 = arith.constant 0 : index
    %get3A_239 = vector.load %arg5[%get3A_236, %get3A_237, %get3A_238] : memref<128x32x256xf32, #tpu.memory_space<vmem>>, vector<128x32x256xf32>
    %reduce_min3A_240 = arith.constant dense<0x7F800000> : vector<128x32xf32>
    %reduce_min3A_241 = vector.multi_reduction <minimumf>, %get3A_239, %reduce_min3A_240 [2] : vector<128x32x256xf32> to vector<128x32xf32>
    %broadcast_in_dim3A_242 = vector.shape_cast %reduce_min3A_241 : vector<128x32xf32> to vector<128x32x1xf32>
    %eq3A_243 = vector.broadcast %broadcast_in_dim3A_242 : vector<128x32x1xf32> to vector<128x32x256xf32>
    %eq3A_244 = arith.cmpf oeq, %get3A_239, %eq3A_243 : vector<128x32x256xf32>
    %jit3A_245 = arith.constant 1073741824 : i32
    %broadcast_in_dim3A_246 = vector.shape_cast %add3A_26 : vector<1x32x256xi32> to vector<1x32x256xi32>
    %broadcast_in_dim3A_247 = vector.broadcast %broadcast_in_dim3A_246 : vector<1x32x256xi32> to vector<128x32x256xi32>
    %broadcast_in_dim3A_248 = vector.broadcast %jit3A_245 : i32 to vector<128x32x256xi32>
    %select_n3A_249 = arith.select %eq3A_244, %broadcast_in_dim3A_247, %broadcast_in_dim3A_248 : vector<128x32x256xi1>, vector<128x32x256xi32>
    %reduce_min3A_250 = arith.constant dense<2147483647> : vector<128x32xi32>
    %reduce_min3A_251 = vector.multi_reduction <minsi>, %select_n3A_249, %reduce_min3A_250 [2] : vector<128x32x256xi32> to vector<128x32xi32>
    %broadcast_in_dim3A_252 = vector.shape_cast %reduce_min3A_251 : vector<128x32xi32> to vector<128x32x1xi32>
    %eq3A_253 = vector.broadcast %add3A_26 : vector<1x32x256xi32> to vector<128x32x256xi32>
    %eq3A_254 = vector.broadcast %broadcast_in_dim3A_252 : vector<128x32x1xi32> to vector<128x32x256xi32>
    %eq3A_255 = arith.cmpi eq, %eq3A_253, %eq3A_254 : vector<128x32x256xi32>
    %jit3A_256 = arith.constant 0x7F800000 : f32
    %broadcast_in_dim3A_257 = vector.broadcast %jit3A_256 : f32 to vector<128x32x256xf32>
    %select_n3A_258 = arith.select %eq3A_255, %broadcast_in_dim3A_257, %get3A_239 : vector<128x32x256xi1>, vector<128x32x256xf32>
    %swap3A_259 = arith.constant 0 : index
    %swap3A_260 = arith.constant 0 : index
    %swap3A_261 = arith.constant 0 : index
    %swap3A_262 = vector.load %arg5[%swap3A_259, %swap3A_260, %swap3A_261] : memref<128x32x256xf32, #tpu.memory_space<vmem>>, vector<128x32x256xf32>
    tpu.vector_store %arg5[%swap3A_259, %swap3A_260, %swap3A_261], %select_n3A_258 {strides = array<i32>} : memref<128x32x256xf32, #tpu.memory_space<vmem>>, vector<128x32x256xf32>,
    %squeeze3A_263 = vector.shape_cast %broadcast_in_dim3A_242 : vector<128x32x1xf32> to vector<128x32xf32>
    %squeeze3A_264 = vector.shape_cast %broadcast_in_dim3A_252 : vector<128x32x1xi32> to vector<128x32xi32>
    %concatenate3A = tpu.concatenate %squeeze3A, %squeeze3A_89, %squeeze3A_118, %squeeze3A_147, %squeeze3A_176, %squeeze3A_205, %squeeze3A_234, %squeeze3A_263 in 1 : vector<128x32xf32>, vector<128x32xf32>, vector<128x32xf32>, vector<128x32xf32>, vector<128x32xf32>, vector<128x32xf32>, vector<128x32xf32>, vector<128x32xf32> -> vector<128x256xf32>
    %swap3A_265 = arith.constant 0 : index
    %swap3A_266 = arith.constant 0 : index
    %swap3A_267 = vector.load %arg6[%swap3A_265, %swap3A_266] : memref<128x256xf32, #tpu.memory_space<vmem>>, vector<128x256xf32>
    tpu.vector_store %arg6[%swap3A_265, %swap3A_266], %concatenate3A {strides = array<i32>} : memref<128x256xf32, #tpu.memory_space<vmem>>, vector<128x256xf32>,
    %concatenate3A_268 = tpu.concatenate %squeeze3A_61, %squeeze3A_90, %squeeze3A_119, %squeeze3A_148, %squeeze3A_177, %squeeze3A_206, %squeeze3A_235, %squeeze3A_264 in 1 : vector<128x32xi32>, vector<128x32xi32>, vector<128x32xi32>, vector<128x32xi32>, vector<128x32xi32>, vector<128x32xi32>, vector<128x32xi32>, vector<128x32xi32> -> vector<128x256xi32>
    %swap3A_269 = arith.constant 0 : index
    %swap3A_270 = arith.constant 0 : index
    %swap3A_271 = vector.load %arg7[%swap3A_269, %swap3A_270] : memref<128x256xi32, #tpu.memory_space<vmem>>, vector<128x256xi32>
    tpu.vector_store %arg7[%swap3A_269, %swap3A_270], %concatenate3A_268 {strides = array<i32>} : memref<128x256xi32, #tpu.memory_space<vmem>>, vector<128x256xi32>,
    %get3A_272 = arith.constant 0 : index
    %get3A_273 = arith.constant 0 : index
    %get3A_274 = arith.constant 0 : index
    %get3A_275 = vector.load %arg5[%get3A_272, %get3A_273, %get3A_274] : memref<128x32x256xf32, #tpu.memory_space<vmem>>, vector<128x32x256xf32>
    %reduce_min3A_276 = arith.constant dense<0x7F800000> : vector<128x32xf32>
    %reduce_min3A_277 = vector.multi_reduction <minimumf>, %get3A_275, %reduce_min3A_276 [2] : vector<128x32x256xf32> to vector<128x32xf32>
    %broadcast_in_dim3A_278 = vector.shape_cast %reduce_min3A_277 : vector<128x32xf32> to vector<128x32x1xf32>
    %reduce_min3A_279 = arith.constant dense<0x7F800000> : vector<128x1xf32>
    %reduce_min3A_280 = vector.multi_reduction <minimumf>, %broadcast_in_dim3A_278, %reduce_min3A_279 [1] : vector<128x32x1xf32> to vector<128x1xf32>
    %broadcast_in_dim3A_281 = vector.shape_cast %reduce_min3A_280 : vector<128x1xf32> to vector<128x1x1xf32>
    %squeeze3A_282 = vector.shape_cast %broadcast_in_dim3A_281 : vector<128x1x1xf32> to vector<128x1xf32>
    %broadcast_in_dim3A_283 = arith.constant 0 : i32
    %broadcast_in_dim3A_284 = vector.broadcast %broadcast_in_dim3A_283 : i32 to vector<128x32xi32>
    %broadcast_in_dim3A_285 = arith.constant 0.000000e+00 : f32
    %broadcast_in_dim3A_286 = vector.broadcast %broadcast_in_dim3A_285 : f32 to vector<128x1xf32>
    %scan3A = arith.constant 1073741824 : i32
    %scan3A_287 = arith.constant 0x7F800000 : f32
    %scan3A_288 = arith.constant 0 : i32
    %scan3A_289 = arith.constant 32 : i32
    %scan3A_290 = arith.addi %scan3A_288, %scan3A_289 : i32
    %scan3A_291 = arith.constant 1 : i32
    %scan3A_292:2 = scf.for %scan3A_319 = %scan3A_288 to %scan3A_290 step %scan3A_291 iter_args(%scan3A_320 = %broadcast_in_dim3A_284, %scan3A_321 = %broadcast_in_dim3A_286) -> (vector<128x32xi32>, vector<128x1xf32>)  : i32 {
      %get3A_322 = arith.constant 0 : index
      %get3A_323 = arith.constant 0 : index
      %get3A_324 = vector.load %arg6[%get3A_322, %get3A_323] : memref<128x256xf32, #tpu.memory_space<vmem>>, vector<128x256xf32>
      %reduce_min3A_325 = arith.constant dense<0x7F800000> : vector<128xf32>
      %reduce_min3A_326 = vector.multi_reduction <minimumf>, %get3A_324, %reduce_min3A_325 [1] : vector<128x256xf32> to vector<128xf32>
      %broadcast_in_dim3A_327 = vector.shape_cast %reduce_min3A_326 : vector<128xf32> to vector<128x1xf32>
      %get3A_328 = arith.constant 0 : index
      %get3A_329 = arith.constant 0 : index
      %get3A_330 = vector.load %arg7[%get3A_328, %get3A_329] : memref<128x256xi32, #tpu.memory_space<vmem>>, vector<128x256xi32>
      %eq3A_331 = vector.broadcast %broadcast_in_dim3A_327 : vector<128x1xf32> to vector<128x256xf32>
      %eq3A_332 = arith.cmpf oeq, %get3A_324, %eq3A_331 : vector<128x256xf32>
      %broadcast_in_dim3A_333 = vector.broadcast %scan3A : i32 to vector<128x256xi32>
      %select_n3A_334 = arith.select %eq3A_332, %get3A_330, %broadcast_in_dim3A_333 : vector<128x256xi1>, vector<128x256xi32>
      %reduce_min3A_335 = arith.constant dense<2147483647> : vector<128xi32>
      %reduce_min3A_336 = vector.multi_reduction <minsi>, %select_n3A_334, %reduce_min3A_335 [1] : vector<128x256xi32> to vector<128xi32>
      %broadcast_in_dim3A_337 = vector.shape_cast %reduce_min3A_336 : vector<128xi32> to vector<128x1xi32>
      %eq3A_338 = vector.broadcast %broadcast_in_dim3A_337 : vector<128x1xi32> to vector<128x256xi32>
      %eq3A_339 = arith.cmpi eq, %get3A_330, %eq3A_338 : vector<128x256xi32>
      %broadcast_in_dim3A_340 = vector.broadcast %scan3A_287 : f32 to vector<128x256xf32>
      %select_n3A_341 = arith.select %eq3A_339, %broadcast_in_dim3A_340, %get3A_324 : vector<128x256xi1>, vector<128x256xf32>
      %swap3A_342 = arith.constant 0 : index
      %swap3A_343 = arith.constant 0 : index
      %swap3A_344 = vector.load %arg6[%swap3A_342, %swap3A_343] : memref<128x256xf32, #tpu.memory_space<vmem>>, vector<128x256xf32>
      tpu.vector_store %arg6[%swap3A_342, %swap3A_343], %select_n3A_341 {strides = array<i32>} : memref<128x256xf32, #tpu.memory_space<vmem>>, vector<128x256xf32>,
      %eq3A_345 = vector.broadcast %scan3A_319 : i32 to vector<1x32xi32>
      %eq3A_346 = arith.cmpi eq, %iota3A_27, %eq3A_345 : vector<1x32xi32>
      %broadcast_in_dim3A_347 = vector.shape_cast %eq3A_346 : vector<1x32xi1> to vector<1x32xi1>
      %broadcast_in_dim3A_348 = vector.broadcast %broadcast_in_dim3A_347 : vector<1x32xi1> to vector<128x32xi1>
      %broadcast_in_dim3A_349 = vector.shape_cast %broadcast_in_dim3A_337 : vector<128x1xi32> to vector<128x1xi32>
      %broadcast_in_dim3A_350 = vector.broadcast %broadcast_in_dim3A_349 : vector<128x1xi32> to vector<128x32xi32>
      %select_n3A_351 = arith.select %broadcast_in_dim3A_348, %broadcast_in_dim3A_350, %scan3A_320 : vector<128x32xi1>, vector<128x32xi32>
      scf.yield %select_n3A_351, %broadcast_in_dim3A_327 : vector<128x32xi32>, vector<128x1xf32>
    }
    %scan3A_293 = arith.constant 32 : i32
    %lt3A = arith.cmpf olt, %scan3A_292#1, %squeeze3A_282 : vector<128x1xf32>
    %reduce_and3A = arith.constant 1.000000e+00 : f32
    %reduce_and3A_294 = arith.constant 0.000000e+00 : f32
    %reduce_and3A_295 = vector.broadcast %reduce_and3A : f32 to vector<128x1xf32>
    %reduce_and3A_296 = vector.broadcast %reduce_and3A_294 : f32 to vector<128x1xf32>
    %reduce_and3A_297 = arith.select %lt3A, %reduce_and3A_295, %reduce_and3A_296 : vector<128x1xi1>, vector<128x1xf32>
    %reduce_and3A_298 = vector.shape_cast %reduce_and3A_297 : vector<128x1xf32> to vector<1x128x1xf32>
    %reduce_and3A_299 = arith.constant dense<0x7F800000> : vector<1xf32>
    %reduce_and3A_300 = vector.multi_reduction <minimumf>, %reduce_and3A_298, %reduce_and3A_299 [1, 2] : vector<1x128x1xf32> to vector<1xf32>
    %reduce_and3A_301 = vector.shape_cast %reduce_and3A_300 : vector<1xf32> to vector<1x1x1xf32>
    %reduce_and3A_302 = vector.extract %reduce_and3A_301[0, 0, 0] : f32 from vector<1x1x1xf32>
    %reduce_and3A_303 = arith.constant 0.000000e+00 : f32
    %reduce_and3A_304 = arith.cmpf ogt, %reduce_and3A_302, %reduce_and3A_303 : f32
    %convert_element_type3A = arith.extui %reduce_and3A_304 : i1 to i32
    %cond3A = arith.constant 1073741824 : i32
    %cond3A_305 = arith.constant 0x7F800000 : f32
    %cond3A_306 = arith.constant 0 : i32
    %cond3A_307 = arith.cmpi ne, %convert_element_type3A, %cond3A_306 : i32
    %cond3A_308 = scf.if %cond3A_307 -> (vector<128x32xi32>) {
      scf.yield %scan3A_292#0 : vector<128x32xi32>
    } else {
      %dot_general3A_319 = arith.constant dense<0.000000e+00> : vector<128x8192xf32>
      %dot_general3A_320 = tpu.matmul %get3A_3, %get3A_8, %dot_general3A_319 {dimension_numbers = #tpu.dot_dimension_numbers<[1], [0], [0], [1], [0, 0, 1, 1], [], []>, transpose_lhs_hint = false} : vector<128x3xf32>, vector<3x8192xf32>, vector<128x8192xf32> -> vector<128x8192xf32>
      %mul3A_321 = arith.constant -2.000000e+00 : f32
      %mul3A_322 = vector.broadcast %mul3A_321 : f32 to vector<128x8192xf32>
      %mul3A_323 = arith.mulf %mul3A_322, %dot_general3A_320 : vector<128x8192xf32>
      %add3A_324 = vector.broadcast %add3A_13 : vector<128x1xf32> to vector<128x8192xf32>
      %add3A_325 = arith.addf %mul3A_323, %add3A_324 : vector<128x8192xf32>
      %add3A_326 = vector.broadcast %add3A_21 : vector<1x8192xf32> to vector<128x8192xf32>
      %add3A_327 = arith.addf %add3A_325, %add3A_326 : vector<128x8192xf32>
      %reshape3A_328 = vector.shape_cast %add3A_327 : vector<128x8192xf32> to vector<128x32x256xf32>
      %swap3A_329 = arith.constant 0 : index
      %swap3A_330 = arith.constant 0 : index
      %swap3A_331 = arith.constant 0 : index
      %swap3A_332 = vector.load %arg5[%swap3A_329, %swap3A_330, %swap3A_331] : memref<128x32x256xf32, #tpu.memory_space<vmem>>, vector<128x32x256xf32>
      tpu.vector_store %arg5[%swap3A_329, %swap3A_330, %swap3A_331], %reshape3A_328 {strides = array<i32>} : memref<128x32x256xf32, #tpu.memory_space<vmem>>, vector<128x32x256xf32>,
      %broadcast_in_dim3A_333 = arith.constant 0 : i32
      %broadcast_in_dim3A_334 = vector.broadcast %broadcast_in_dim3A_333 : i32 to vector<128x32xi32>
      %scan3A_335 = arith.constant 0 : i32
      %scan3A_336 = arith.constant 32 : i32
      %scan3A_337 = arith.addi %scan3A_335, %scan3A_336 : i32
      %scan3A_338 = arith.constant 1 : i32
      %scan3A_339 = scf.for %scan3A_341 = %scan3A_335 to %scan3A_337 step %scan3A_338 iter_args(%scan3A_342 = %broadcast_in_dim3A_334) -> (vector<128x32xi32>)  : i32 {
        %get3A_343 = arith.constant 0 : index
        %get3A_344 = arith.constant 0 : index
        %get3A_345 = arith.constant 0 : index
        %get3A_346 = vector.load %arg5[%get3A_343, %get3A_344, %get3A_345] : memref<128x32x256xf32, #tpu.memory_space<vmem>>, vector<128x32x256xf32>
        %reduce_min3A_347 = arith.constant dense<0x7F800000> : vector<128x32xf32>
        %reduce_min3A_348 = vector.multi_reduction <minimumf>, %get3A_346, %reduce_min3A_347 [2] : vector<128x32x256xf32> to vector<128x32xf32>
        %broadcast_in_dim3A_349 = vector.shape_cast %reduce_min3A_348 : vector<128x32xf32> to vector<128x32x1xf32>
        %reduce_min3A_350 = arith.constant dense<0x7F800000> : vector<128x1xf32>
        %reduce_min3A_351 = vector.multi_reduction <minimumf>, %broadcast_in_dim3A_349, %reduce_min3A_350 [1] : vector<128x32x1xf32> to vector<128x1xf32>
        %broadcast_in_dim3A_352 = vector.shape_cast %reduce_min3A_351 : vector<128x1xf32> to vector<128x1x1xf32>
        %eq3A_353 = vector.broadcast %broadcast_in_dim3A_352 : vector<128x1x1xf32> to vector<128x32x256xf32>
        %eq3A_354 = arith.cmpf oeq, %get3A_346, %eq3A_353 : vector<128x32x256xf32>
        %broadcast_in_dim3A_355 = vector.shape_cast %add3A_26 : vector<1x32x256xi32> to vector<1x32x256xi32>
        %broadcast_in_dim3A_356 = vector.broadcast %broadcast_in_dim3A_355 : vector<1x32x256xi32> to vector<128x32x256xi32>
        %broadcast_in_dim3A_357 = vector.broadcast %cond3A : i32 to vector<128x32x256xi32>
        %select_n3A_358 = arith.select %eq3A_354, %broadcast_in_dim3A_356, %broadcast_in_dim3A_357 : vector<128x32x256xi1>, vector<128x32x256xi32>
        %reduce_min3A_359 = arith.constant dense<2147483647> : vector<128x32xi32>
        %reduce_min3A_360 = vector.multi_reduction <minsi>, %select_n3A_358, %reduce_min3A_359 [2] : vector<128x32x256xi32> to vector<128x32xi32>
        %broadcast_in_dim3A_361 = vector.shape_cast %reduce_min3A_360 : vector<128x32xi32> to vector<128x32x1xi32>
        %reduce_min3A_362 = arith.constant dense<2147483647> : vector<128x1xi32>
        %reduce_min3A_363 = vector.multi_reduction <minsi>, %broadcast_in_dim3A_361, %reduce_min3A_362 [1] : vector<128x32x1xi32> to vector<128x1xi32>
        %broadcast_in_dim3A_364 = vector.shape_cast %reduce_min3A_363 : vector<128x1xi32> to vector<128x1x1xi32>
        %eq3A_365 = vector.broadcast %add3A_26 : vector<1x32x256xi32> to vector<128x32x256xi32>
        %eq3A_366 = vector.broadcast %broadcast_in_dim3A_364 : vector<128x1x1xi32> to vector<128x32x256xi32>
        %eq3A_367 = arith.cmpi eq, %eq3A_365, %eq3A_366 : vector<128x32x256xi32>
        %broadcast_in_dim3A_368 = vector.broadcast %cond3A_305 : f32 to vector<128x32x256xf32>
        %select_n3A_369 = arith.select %eq3A_367, %broadcast_in_dim3A_368, %get3A_346 : vector<128x32x256xi1>, vector<128x32x256xf32>
        %swap3A_370 = arith.constant 0 : index
        %swap3A_371 = arith.constant 0 : index
        %swap3A_372 = arith.constant 0 : index
        %swap3A_373 = vector.load %arg5[%swap3A_370, %swap3A_371, %swap3A_372] : memref<128x32x256xf32, #tpu.memory_space<vmem>>, vector<128x32x256xf32>
        tpu.vector_store %arg5[%swap3A_370, %swap3A_371, %swap3A_372], %select_n3A_369 {strides = array<i32>} : memref<128x32x256xf32, #tpu.memory_space<vmem>>, vector<128x32x256xf32>,
        %eq3A_374 = vector.broadcast %scan3A_341 : i32 to vector<1x32xi32>
        %eq3A_375 = arith.cmpi eq, %iota3A_27, %eq3A_374 : vector<1x32xi32>
        %squeeze3A_376 = vector.shape_cast %broadcast_in_dim3A_364 : vector<128x1x1xi32> to vector<128x1xi32>
        %broadcast_in_dim3A_377 = vector.shape_cast %eq3A_375 : vector<1x32xi1> to vector<1x32xi1>
        %broadcast_in_dim3A_378 = vector.broadcast %broadcast_in_dim3A_377 : vector<1x32xi1> to vector<128x32xi1>
        %broadcast_in_dim3A_379 = vector.shape_cast %squeeze3A_376 : vector<128x1xi32> to vector<128x1xi32>
        %broadcast_in_dim3A_380 = vector.broadcast %broadcast_in_dim3A_379 : vector<128x1xi32> to vector<128x32xi32>
        %select_n3A_381 = arith.select %broadcast_in_dim3A_378, %broadcast_in_dim3A_380, %scan3A_342 : vector<128x32xi1>, vector<128x32xi32>
        scf.yield %select_n3A_381 : vector<128x32xi32>
      }
      %scan3A_340 = arith.constant 32 : i32
      scf.yield %scan3A_339 : vector<128x32xi32>
    }
    %mul3A_309 = arith.constant 8192 : i32
    %mul3A_310 = arith.muli %arg0, %mul3A_309 : i32
    %add3A_311 = vector.broadcast %mul3A_310 : i32 to vector<128x32xi32>
    %add3A_312 = arith.addi %cond3A_308, %add3A_311 : vector<128x32xi32>
    %swap3A_313 = arith.constant 0 : index
    %swap3A_314 = arith.constant 0 : index
    %swap3A_315 = arith.constant 0 : index
    %swap3A_316 = vector.load %arg4[%swap3A_313, %swap3A_314, %swap3A_315] : memref<1x128x32xi32, #tpu.memory_space<vmem>>, vector<1x128x32xi32>
    %swap3A_317 = vector.shape_cast %swap3A_316 : vector<1x128x32xi32> to vector<128x32xi32>
    %swap3A_318 = vector.shape_cast %add3A_312 : vector<128x32xi32> to vector<1x128x32xi32>
    tpu.vector_store %arg4[%swap3A_313, %swap3A_314, %swap3A_315], %swap3A_318 {strides = array<i32>} : memref<1x128x32xi32, #tpu.memory_space<vmem>>, vector<1x128x32xi32>,
    return
  }
  func.func @transform_0(%arg0: i32, %arg1: i32) -> (i32, i32, i32) {
    %c0_i32 = arith.constant 0 : i32
    %c0_i32_0 = arith.constant 0 : i32
    return %arg0, %arg1, %c0_i32 : i32, i32, i32
  }
  func.func @transform_1(%arg0: i32, %arg1: i32) -> (i32, i32, i32) {
    %c0_i32 = arith.constant 0 : i32
    %c0_i32_0 = arith.constant 0 : i32
    %c0_i32_1 = arith.constant 0 : i32
    return %arg0, %c0_i32, %c0_i32_0 : i32, i32, i32
  }
  func.func @transform_2(%arg0: i32, %arg1: i32) -> (i32, i32, i32) {
    %c0_i32 = arith.constant 0 : i32
    %c0_i32_0 = arith.constant 0 : i32
    return %arg0, %arg1, %c0_i32 : i32, i32, i32
  }
}

</mosaic_0001>

<sc_bundles>
// kernel: kernel.11.cloned.1.call-start
scs
__scs_entry_jumppad:
0x0: {  	(pc) =	sbr.rel $0x88, $3  }
0x1: {  	(tag) =	ssettag $0x0;
	lr =	simm.s32 $0x1  }
0x2: {  	[smem:$0x3F9F] =	sst lr;
	_ =	strace $0xD0000000  }
0x3: {  	_ = 	snop  }
0x4: {  	_ = 	snop  }
0x5: {  	_ = 	snop  }
0x6: {  	_ = 	snop  }
0x7: {  	_ = 	snop  }
__scs_overlays_trampoline_lowered:
0x8: {  	[smem:$0x3FAE] =	sst s0  }
0x9: {  	[smem:$0x3FAF] =	sst s1  }
0xa: {  	[smem:$0x3FB0] =	sst s2  }
0xb: {  	[smem:$0x3FB1] =	sst s3  }
0xc: {  	[smem:$0x3FB2] =	sst s4  }
0xd: {  	[smem:$0x3FB3] =	sst s5  }
0xe: {  	[smem:$0x3FB4] =	sst s6  }
0xf: {  	[smem:$0x3FB5] =	sst s7  }
0x10: {  	[smem:$0x3FB6] =	sst s8  }
0x11: {  	[smem:$0x3FB7] =	sst s9;
	s0 =	simm.s32 @!p0 $0x0  }
0x12: {  	s1 =	sld [smem:$0x3F9D];
	s0 =	simm.s32 @p0 $0x1  }
0x13: {  	[smem:$0x3FB8] =	sst s0;
	s0 =	simm.s32 @!p1 $0x0  }
0x14: {  	s2 =	sld [smem:$0x3F9C];
	s0 =	simm.s32 @p1 $0x1  }
0x15: {  	[smem:$0x3FB9] =	sst s0;
	s0 =	simm.s32 @!p2 $0x0  }
0x16: {  	s3 =	sld [smem:$0x3FDB];
	s0 =	simm.s32 @p2 $0x1  }
0x17: {  	s4 =	simm.s32 $0x1BF5;
	[smem:$0x3FBB] =	sst s0  }
0x18: {  	s0 =	sld [smem:$0x3F9E];
	_ =	swait.ge [sflag:s4], $0x0  }
0x19: {  	s7 =	sld [smem:$0x3F9F]  }
0x1a: {  	s8 =	sadd.s32 $0xFFFFE003, lr  }
0x1b: {  	s9 =	sadd.s32 $0xFFFFFEF7, lr;
	s5 =	simm.s32 $0xFFFFFFFF;
	p2 =	slt.u32 s8, $0xFFFFF086  }
0x1c: {  	p1 =	slt.u32 s9, $0xF7A;
	s5 =	simm.s32 @!p2 $0x0  }
0x1d: {  	s5 =	simm.s32 @p1 $0x1;
	p0 =	seq.s32 s7, s2  }
0x1e: {  	s7 =	smul.u32 @!p0 $0xF7A, s2;
	p2 =	seq.s32 @!p0 s5, $0x0  }
0x1f: {  	s9 =	smul.u32 $0xF7A, s1;
	s8 =	simm.s32 @!p0 $0x1BF5;
	p2 =	por !p2, p0  }
0x20: {  	[sflag:s8] =	ssyncset.s32 @!p0 $0xFFFFF086;
	s6 =	sadd.s32 @!p0 s3, s7;
	s7 =	simm.s32 @!p0 $0x108  }
0x21: {  	s3 =	sadd.s32 s3, s9;
	s6 =	sadd.s32 @!p0 $0x88, s6;
	s7 =	simm.s32 @p2 $0x1082  }
0x22: {  	[simem:s7], [sflag:s8] =	dma.local @!p0 [hbm:s6], $0xF7A  }
0x23: {  	s9 =	sor.u32 $0xD0000000, s2;
	s6 =	simm.s32 $0x108;
	_ =	swait.ge @!p0 [sflag:s8], $0x0  }
0x24: {  	s3 =	sadd.s32 $0x88, s3;
	s6 =	simm.s32 @!p1 $0x1082;
	[sflag:s4] =	ssyncset.s32 $0xFFFFF086  }
0x25: {  	[simem:s6], [sflag:s4] =	dma.local [hbm:s3], $0xF7A  }
0x26: {  	[smem:$0x3F9F] =	sst s1;
	(tag) =	ssettag s2;
	_ =	strace s9  }
0x27: {  	s1 =	sld [smem:$0x3FAF]  }
0x28: {  	s2 =	sld [smem:$0x3FB0]  }
0x29: {  	s4 =	sld [smem:$0x3FB2]  }
0x2a: {  	p0 =	seq.s32 s5, $0x0;
	s5 =	sld [smem:$0x3FB3]  }
0x2b: {  	s6 =	sld [smem:$0x3FB4]  }
0x2c: {  	s7 =	sld [smem:$0x3FB5]  }
0x2d: {  	s3 =	simm.s32 $0x108;
	s8 =	sld [smem:$0x3FB6]  }
0x2e: {  	s3 =	simm.s32 @!p0 $0x1082;
	s9 =	sld [smem:$0x3FB7]  }
0x2f: {  	lr =	sadd.s32 s0, s3;
	s0 =	sld [smem:$0x3FAE]  }
0x30: {  	s3 =	sld [smem:$0x3FB1]  }
0x31: {  	[smem:$0x3FBA] =	sst s10  }
0x32: {  	s10 =	sld [smem:$0x3FB8];
	_ =	sdelay $0x3  }
0x33: {  	p0 =	seq.s32 s10, $0x1;
	s10 =	sld [smem:$0x3FBA];
	_ =	sdelay $0x3  }
0x34: {  	[smem:$0x3FBA] =	sst s10  }
0x35: {  	s10 =	sld [smem:$0x3FB9];
	_ =	sdelay $0x3  }
0x36: {  	p1 =	seq.s32 s10, $0x1;
	s10 =	sld [smem:$0x3FBA];
	_ =	sdelay $0x3  }
0x37: {  	[smem:$0x3FBA] =	sst s10  }
0x38: {  	s10 =	sld [smem:$0x3FBB]  }
0x39: {  	_ = 	snop;
	(pc) =	sbr.ind lr, $3  }
0x3a: {  	_ = 	snop  }
0x3b: {  	_ = 	snop  }
0x3c: {  	p2 =	seq.s32 s10, $0x1;
	s10 =	sld [smem:$0x3FBA]  }
0x3d: {  	_ =	shalt  }
0x3e: {  	_ =	shalt  }
0x3f: {  	_ =	shalt  }
0x40: {  	_ =	shalt  }
0x41: {  	_ =	shalt  }
0x42: {  	_ =	shalt  }
0x43: {  	_ =	shalt  }
0x44: {  	_ =	shalt  }
0x45: {  	_ =	shalt  }
0x46: {  	_ =	shalt  }
0x47: {  	_ =	shalt  }
0x48: {  	_ =	shalt  }
0x49: {  	_ =	shalt  }
0x4a: {  	_ =	shalt  }
0x4b: {  	_ =	shalt  }
0x4c: {  	_ =	shalt  }
0x4d: {  	_ =	shalt  }
0x4e: {  	_ =	shalt  }
0x4f: {  	_ =	shalt  }
0x50: {  	_ =	shalt  }
0x51: {  	_ =	shalt  }
0x52: {  	_ =	shalt  }
0x53: {  	_ =	shalt  }
0x54: {  	_ =	shalt  }
0x55: {  	_ =	shalt  }
0x56: {  	_ =	shalt  }
0x57: {  	_ =	shalt  }
0x58: {  	_ =	shalt  }
0x59: {  	_ =	shalt  }
0x5a: {  	_ =	shalt  }
0x5b: {  	_ =	shalt  }
0x5c: {  	_ =	shalt  }
0x5d: {  	_ =	shalt  }
0x5e: {  	_ =	shalt  }
0x5f: {  	_ =	shalt  }
0x60: {  	_ =	shalt  }
0x61: {  	_ =	shalt  }
0x62: {  	_ =	shalt  }
0x63: {  	_ =	shalt  }
0x64: {  	_ =	shalt  }
0x65: {  	_ =	shalt  }
0x66: {  	_ =	shalt  }
0x67: {  	_ =	shalt  }
0x68: {  	_ =	shalt  }
0x69: {  	_ =	shalt  }
0x6a: {  	_ =	shalt  }
0x6b: {  	_ =	shalt  }
0x6c: {  	_ =	shalt  }
0x6d: {  	_ =	shalt  }
0x6e: {  	_ =	shalt  }
0x6f: {  	_ =	shalt  }
0x70: {  	_ =	shalt  }
0x71: {  	_ =	shalt  }
0x72: {  	_ =	shalt  }
0x73: {  	_ =	shalt  }
0x74: {  	_ =	shalt  }
0x75: {  	_ =	shalt  }
0x76: {  	_ =	shalt  }
0x77: {  	_ =	shalt  }
0x78: {  	_ =	shalt  }
0x79: {  	_ =	shalt  }
0x7a: {  	_ =	shalt  }
0x7b: {  	_ =	shalt  }
0x7c: {  	_ =	shalt  }
0x7d: {  	_ =	shalt  }
0x7e: {  	_ =	shalt  }
0x7f: {  	_ =	shalt  }
0x80: {  	_ =	shalt  }
0x81: {  	_ =	shalt  }
0x82: {  	_ =	shalt  }
0x83: {  	_ =	shalt  }
0x84: {  	_ =	shalt  }
0x85: {  	_ =	shalt  }
0x86: {  	_ =	shalt  }
0x87: {  	_ =	shalt  }
.Lfunc_end0:
.L_simem_size_0:
called_computation.1_lowered:
.L_overlay_start_0:
0x88: {  	s2 =	sld [smem:$0x3FD9]  }
0x89: {  	s3 =	sld [smem:$0x3FFE];
	_ =	sdelay $0x1  }
0x8a: {  	s1 =	srdreg.scid  }
0x8b: {  	s0 =	sand.u32 $0x1, s1  }
0x8c: {  	s15 =	sshll.u32 s0, $0xA;
	s2 =	sadd.s32 s3, s2  }
0x8d: {  	s2 =	sadd.s32 s2, s15  }
0x8e: {  	[smem:$0x3FC6] =	sst s2  }
0x8f: {  	_ = 	snop  }
0x90: {  	s16 =	sld [smem:$0x3FD0];
	_ =	sdelay $0x2  }
0x91: {  	s4 =	simm.s32 $0xC;
	s5 =	simm.s32 $0x10;
	s2 =	sld [smem:$0x3FC8]  }
0x92: {  	[smem:s5], [sflag:s4] =	dma.local [hbm:s16], $0x1  }
0x93: {  	_ =	swait.eq [sflag:s4], $0x1  }
0x94: {  	[sflag:s4] =	ssyncset.done $0x0  }
0x95: {  	[sflag:s4] =	ssyncadd.s32 $0xFFFFFFFF  }
0x96: {  	s17 =	sld [smem:$0x11];
	(tm) =	ssettm $0x1  }
0x97: {  	s18 =	sld [smem:$0x3FFB];
	_ =	sdelay $0x3  }
0x98: {  	_ =	strace s18  }
0x99: {  	s3 =	sld [smem:$0x3FFC];
	_ =	sdelay $0x3  }
0x9a: {  	_ =	strace s3  }
0x9b: {  	s3 =	sld [smem:$0x3FFD];
	_ =	sdelay $0x3  }
0x9c: {  	_ =	strace s3  }
0x9d: {  	_ =	strace $0x8FFFFFFF  }
0x9e: {  	s19 =	sld [smem:$0x3FDB];
	_ =	sdelay $0x1  }
0x9f: {  	s20 =	simm.s32 $_scs_section_size  }
0xa0: {  	s6 =	simm.s32 $_size__tile_overlayer_lowered;
	s7 =	simm.s32 $_tile_overlayer_lowered  }
0xa1: {  	s8 =	simm.s32 $0x1BFF;
	s21 =	sshll.u32 s7, $0x1;
	s5 =	sadd.s32 s20, s19  }
0xa2: {  	s22 =	simm.s32 $0x0;
	s6 =	sshll.u32 s6, $0x1;
	s7 =	sadd.s32 s21, s5  }
0xa3: {  	[timem:s22], [sflag:s8] =	dma.local [hbm:s7], s6  }
0xa4: {  	_ =	swait.ge [sflag:s8], s6  }
0xa5: {  	s6 =	ssub.s32 $0x0, s6;
	[sflag:s8] =	ssyncset.done $0x0  }
0xa6: {  	[sflag:s8] =	ssyncadd.s32 s6;
	_ =	sdelay $0x1  }
0xa7: {  	s23 =	simm.s32 $0x1B8B  }
0xa8: {  	_ =	swait.ge [sflag:s23], $0x1  }
0xa9: {  	[sflag:s23] =	ssyncset.done $0x0  }
0xaa: {  	[sflag:s23] =	ssyncadd.s32 $0xFFFFFFFF  }
0xab: {  	s6 =	sld [smem:$0x0]  }
0xac: {  	s7 =	sand.u32 $0xFFFFFFFE, s1  }
0xad: {  	p0 =	sne.s32 s1, s7  }
0xae: {  	s7 =	sshll.u32 @p0 s7, $0xE  }
0xaf: {  	s7 =	sadd.s32 @p0 $0x11B8D, s7;
	s8 =	sshll.u32 @p0 s6, $0x11  }
0xb0: {  	s7 =	sor.u32 @p0 s8, s7  }
0xb1: {  	[sflag:s7] =	ssyncadd.remote.s32 @p0 $0x1;
	_ =	sdelay $0x1  }
0xb2: {  	s7 =	simm.s32 @p0 $0x1B8D  }
0xb3: {  	_ =	swait.eq @p0 [sflag:s7], $0x1  }
0xb4: {  	[sflag:s7] =	ssyncadd.s32 @p0 $0xFFFFFFFF  }
0xb5: {  	s8 =	sshll.u32 @!p0 s1, $0xE  }
0xb6: {  	s8 =	sor.u32 @!p0 $0x4000, s8;
	s7 =	simm.s32 @!p0 $0x1B8D  }
0xb7: {  	s6 =	sshll.u32 @!p0 s6, $0x11;
	s8 =	sadd.s32 @!p0 $0x11B8D, s8;
	_ =	swait.eq @!p0 [sflag:s7], $0x1  }
0xb8: {  	s6 =	sor.u32 @!p0 s6, s8;
	[sflag:s7] =	ssyncadd.s32 @!p0 $0xFFFFFFFF  }
0xb9: {  	s25 =	simm.s32 $0x1B8E;
	s24 =	sld [smem:$0x3FFE];
	[sflag:s6] =	ssyncadd.remote.s32 @!p0 $0x1  }
0xba: {  	s26 =	simm.s32 $execute0_lowered;
	[smem:$0x3FD2] =	sst s25  }
0xbb: {  	s7 =	sshll.u32 s26, $0x1;
	_ =	strace $0x8000004C;
	[dreg:$0x1] =	wrdreg $0xFFFFFFFF  }
0xbc: {  	s28 =	simm.s32 $_size_execute0_lowered;
	s5 =	sadd.s32 s5, s7;
	[dreg:$0x0] =	wrdreg $0x0  }
0xbd: {  	s7 =	sshll.u32 s28, $0x1;
	[dreg:$0x2] =	wrdreg s5  }
0xbe: {  	[dreg:$0x3] =	wrdreg s7  }
0xbf: {  	[dreg:$0x4] =	wrdreg $0xC0  }
0xc0: {  	_ =	task [dreg:s22], $0x5FFFF  }
0xc1: {  	[dreg:$0x1] =	wrdreg $0xFFFFFFFF  }
0xc2: {  	[dreg:$0x0] =	wrdreg $0x60  }
0xc3: {  	[dreg:$0x2] =	wrdreg s2  }
0xc4: {  	[dreg:$0x3] =	wrdreg s24  }
0xc5: {  	[dreg:$0x4] =	wrdreg s17  }
0xc6: {  	[dreg:$0x5] =	wrdreg $0x9  }
0xc7: {  	_ =	task.clear_ibuf [dreg:s22], $0x6FFFF;
	_ =	strace $0x9000004C  }
0xc8: {  	s29 =	simm.s32 $0x9;
	_ =	strace $0x8000004E  }
0xc9: {  	_ =	swait.ge [sflag:s29], $0x1  }
0xca: {  	[sflag:s29] =	ssyncadd.s32 $0xFFFFFFFF  }
0xcb: {  	_ =	strace $0x9000004E  }
0xcc: {  	_ =	sfence  }
0xcd: {  	s30 =	sld [smem:$0x0];
	_ =	sdelay $0x2  }
0xce: {  	s31 =	sshll.u32 s1, $0xD;
	s1 =	sshrl.u32 s1, $0x2  }
0xcf: {  	s4 =	sand.u32 $0x4000, s31;
	s1 =	sadd.s32 s1, s30  }
0xd0: {  	s0 =	sor.u32 s4, s0;
	s1 =	sshll.u32 s1, $0x11  }
0xd1: {  	s0 =	sor.u32 s1, s0  }
0xd2: {  	s0 =	sadd.s32 $0x8F2B, s0  }
0xd3: {  	[sflag:s0] =	ssyncadd.remote.s32 $0x1  }
0xd4: {  	_ =	sfence.sel $0xFFFF  }
0xd5: {  	[dreg:$0x0] =	wrdreg $0xFFFFFFFF;
	(pc) =	sbr.abs _section_cstart, $3  }
0xd6: {  	[dreg:$0x1] =	wrdreg $0xFFFFFFFF  }
0xd7: {  	_ =	task.clear_ibuf [dreg:s22], $0x2FFFF;
	_ =	strace $0x9FFFFFFF  }
0xd8: {  	(tm) =	ssettm $0x7FFFFFFF  }
0xd9: {  	_ =	shalt  }
tec
execute0_lowered:
.L_overlay_start_1:
0x0: {  	(tag) =	ssettag $0x1  }
0x1: {  	s1 =	rddreg [dreg:$0x0]  }
0x2: {  	s4 =	rddreg [dreg:$0x1]  }
0x3: {  	s5 =	rddreg [dreg:$0x2];
	s3 =	srdreg.scid  }
0x4: {  	s0 =	rddreg [dreg:$0x3];
	s2 =	stileid.u32;
	s10 =	simm.s32 $0x1080  }
0x5: {  	s11 =	simm.s32 $0x1880;
	s12 =	simm.s32 $0x2080;
	s13 =	simm.s32 $0x2880  }
0x6: {  	s14 =	simm.s32 $0x3080;
	s15 =	simm.s32 $0x3880;
	s16 =	simm.s32 $0x4080  }
0x7: {  	s17 =	simm.s32 $0x4880;
	s18 =	simm.s32 $0x5080;
	s19 =	simm.s32 $0x5880  }
0x8: {  	s20 =	simm.s32 $0x6080;
	s21 =	simm.s32 $0x6880;
	s22 =	simm.s32 $0x7080  }
0x9: {  	s23 =	simm.s32 $0x7880;
	s24 =	simm.s32 $0x1;
	s6 =	sand.u32 $0x1, s3  }
0xa: {  	s3 =	simm.s32 $0x0;
	s7 =	sshll.u32 s2, $0x8;
	s8 =	sshll.u32 s6, $0x7  }
0xb: {  	[smem:$0x7FF] =	sst s3;
	s6 =	ssub.s32 $0x2, s6;
	s7 =	sor.u32 s8, s7  }
0xc: {  	_ =	strace $0x8000004D;
	s9 =	sshrl.u32 s6, $0x1;
	s8 =	sshrl.u32 s7, $0x3  }
0xd: {  	v2 =	vlaneseq.u32;
	s6 =	ssub.s32 s6, s9;
	s7 =	sshll.u32 s7, $0x5;
	s9 =	simm.s32 $0x880  }
0xe: {  	vm0 =	vmmov $0xffff;
	v1 =	vshrl.u32 v2, $0x3;
	s4 =	sadd.s32 s8, s4;
	s5 =	sadd.s32 s5, s7;
	s6 =	smax.u32 s6, $0x1  }
0xf: {  	v0 =	vand.u32 $0x7, v2;
	v2 =	vor.u32 $0x8, v2;
	v1 =	vmul.u32 $0x8, v1;
	s7 =	simm.s32 $0x2;
	s8 =	simm.s32 $0x80;
	s4 =	sadd.s32 $0x1800, s4  }
.LBB2_1:
0x10: {  	[tilespmem:s3], [sflag:$0x2] =	stream.linear.gather [hbm4b:s4+s3], $0x80, $0x38;
	[tilespmem:$0x8080] =	vst v63  }
0x11: {  	_ =	swait.ge [sflag:s7], $0x80  }
0x12: {  	[sflag:s7] =	ssyncset.done $0x0  }
0x13: {  	[sflag:s7] =	ssyncadd.s32 $0xFFFFFF80  }
0x14: {  	v3 =	vld [tilespmem:$0x0];
	_ =	sdelay $0x4  }
0x15: {  	v4 =	vshll.u32 v3, $0x1  }
0x16: {  	v3 =	vand.u32 $0x7, v3;
	v4 =	vand.u32 $0xFFFFFFF0, v4  }
0x17: {  	v3 =	vor.u32 v3, v4  }
0x18: {  	v4 =	vperm.xlane v3, v0;
	_ =	sdelay $0x1  }
0x19: {  	v3 =	vperm.xlane v3, v2;
	v4 =	vadd.s32 v1, v4;
	_ =	sdelay $0x1  }
0x1a: {  	v3 =	vadd.s32 v1, v3;
	_ =	sdelay $0x2  }
0x1b: {  	[tilespmem:s8], [sflag:$0x1] =	stream.indirect_vreg.gather [hbm4b:s1+s3], $0x80, v4, vm0, $0xb8;
	[tilespmem:$0x8080] =	vst v63  }
0x1c: {  	_ = 	snop  }
0x1d: {  	[tilespmem:s9], [sflag:$0x1] =	stream.indirect_vreg.gather [hbm4b:s1+s3], $0x80, v3, vm0, $0xb8;
	[tilespmem:$0x8080] =	vst v63  }
0x1e: {  	v3 =	vld [tilespmem:$0x10];
	_ =	sdelay $0x4  }
0x1f: {  	v57 =	vshll.u32 v3, $0x1  }
0x20: {  	v3 =	vand.u32 $0x7, v3;
	v4 =	vand.u32 $0xFFFFFFF0, v57  }
0x21: {  	v3 =	vor.u32 v3, v4  }
0x22: {  	v4 =	vperm.xlane v3, v0;
	_ =	sdelay $0x1  }
0x23: {  	v3 =	vperm.xlane v3, v2;
	v4 =	vadd.s32 v1, v4;
	_ =	sdelay $0x1  }
0x24: {  	v3 =	vadd.s32 v1, v3;
	_ =	sdelay $0x2  }
0x25: {  	[tilespmem:s10], [sflag:$0x1] =	stream.indirect_vreg.gather [hbm4b:s1+s3], $0x80, v4, vm0, $0xb8;
	[tilespmem:$0x8080] =	vst v63  }
0x26: {  	_ = 	snop  }
0x27: {  	[tilespmem:s11], [sflag:$0x1] =	stream.indirect_vreg.gather [hbm4b:s1+s3], $0x80, v3, vm0, $0xb8;
	[tilespmem:$0x8080] =	vst v63  }
0x28: {  	v3 =	vld [tilespmem:$0x20];
	_ =	sdelay $0x4  }
0x29: {  	v58 =	vshll.u32 v3, $0x1  }
0x2a: {  	v3 =	vand.u32 $0x7, v3;
	v4 =	vand.u32 $0xFFFFFFF0, v58  }
0x2b: {  	v3 =	vor.u32 v3, v4  }
0x2c: {  	v4 =	vperm.xlane v3, v0;
	_ =	sdelay $0x1  }
0x2d: {  	v3 =	vperm.xlane v3, v2;
	v4 =	vadd.s32 v1, v4;
	_ =	sdelay $0x1  }
0x2e: {  	v3 =	vadd.s32 v1, v3;
	_ =	sdelay $0x2  }
0x2f: {  	[tilespmem:s12], [sflag:$0x1] =	stream.indirect_vreg.gather [hbm4b:s1+s3], $0x80, v4, vm0, $0xb8;
	[tilespmem:$0x8080] =	vst v63  }
0x30: {  	_ = 	snop  }
0x31: {  	[tilespmem:s13], [sflag:$0x1] =	stream.indirect_vreg.gather [hbm4b:s1+s3], $0x80, v3, vm0, $0xb8;
	[tilespmem:$0x8080] =	vst v63  }
0x32: {  	v3 =	vld [tilespmem:$0x30];
	_ =	sdelay $0x4  }
0x33: {  	v59 =	vshll.u32 v3, $0x1  }
0x34: {  	v3 =	vand.u32 $0x7, v3;
	v4 =	vand.u32 $0xFFFFFFF0, v59  }
0x35: {  	v3 =	vor.u32 v3, v4  }
0x36: {  	v4 =	vperm.xlane v3, v0;
	_ =	sdelay $0x1  }
0x37: {  	v3 =	vperm.xlane v3, v2;
	v4 =	vadd.s32 v1, v4;
	_ =	sdelay $0x1  }
0x38: {  	v3 =	vadd.s32 v1, v3;
	_ =	sdelay $0x2  }
0x39: {  	[tilespmem:s14], [sflag:$0x1] =	stream.indirect_vreg.gather [hbm4b:s1+s3], $0x80, v4, vm0, $0xb8;
	[tilespmem:$0x8080] =	vst v63  }
0x3a: {  	_ = 	snop  }
0x3b: {  	[tilespmem:s15], [sflag:$0x1] =	stream.indirect_vreg.gather [hbm4b:s1+s3], $0x80, v3, vm0, $0xb8;
	[tilespmem:$0x8080] =	vst v63  }
0x3c: {  	v3 =	vld [tilespmem:$0x40];
	_ =	sdelay $0x4  }
0x3d: {  	v60 =	vshll.u32 v3, $0x1  }
0x3e: {  	v3 =	vand.u32 $0x7, v3;
	v4 =	vand.u32 $0xFFFFFFF0, v60  }
0x3f: {  	v3 =	vor.u32 v3, v4  }
0x40: {  	v4 =	vperm.xlane v3, v0;
	_ =	sdelay $0x1  }
0x41: {  	v3 =	vperm.xlane v3, v2;
	v4 =	vadd.s32 v1, v4;
	_ =	sdelay $0x1  }
0x42: {  	v3 =	vadd.s32 v1, v3;
	_ =	sdelay $0x2  }
0x43: {  	[tilespmem:s16], [sflag:$0x1] =	stream.indirect_vreg.gather [hbm4b:s1+s3], $0x80, v4, vm0, $0xb8;
	[tilespmem:$0x8080] =	vst v63  }
0x44: {  	_ = 	snop  }
0x45: {  	[tilespmem:s17], [sflag:$0x1] =	stream.indirect_vreg.gather [hbm4b:s1+s3], $0x80, v3, vm0, $0xb8;
	[tilespmem:$0x8080] =	vst v63  }
0x46: {  	v3 =	vld [tilespmem:$0x50];
	_ =	sdelay $0x4  }
0x47: {  	v61 =	vshll.u32 v3, $0x1  }
0x48: {  	v3 =	vand.u32 $0x7, v3;
	v4 =	vand.u32 $0xFFFFFFF0, v61  }
0x49: {  	v3 =	vor.u32 v3, v4  }
0x4a: {  	v4 =	vperm.xlane v3, v0;
	_ =	sdelay $0x1  }
0x4b: {  	v3 =	vperm.xlane v3, v2;
	v4 =	vadd.s32 v1, v4;
	_ =	sdelay $0x1  }
0x4c: {  	v3 =	vadd.s32 v1, v3;
	_ =	sdelay $0x2  }
0x4d: {  	[tilespmem:s18], [sflag:$0x1] =	stream.indirect_vreg.gather [hbm4b:s1+s3], $0x80, v4, vm0, $0xb8;
	[tilespmem:$0x8080] =	vst v63  }
0x4e: {  	_ = 	snop  }
0x4f: {  	[tilespmem:s19], [sflag:$0x1] =	stream.indirect_vreg.gather [hbm4b:s1+s3], $0x80, v3, vm0, $0xb8;
	[tilespmem:$0x8080] =	vst v63  }
0x50: {  	v3 =	vld [tilespmem:$0x60];
	_ =	sdelay $0x4  }
0x51: {  	v62 =	vshll.u32 v3, $0x1  }
0x52: {  	v3 =	vand.u32 $0x7, v3;
	v4 =	vand.u32 $0xFFFFFFF0, v62  }
0x53: {  	v3 =	vor.u32 v3, v4  }
0x54: {  	v4 =	vperm.xlane v3, v0;
	_ =	sdelay $0x1  }
0x55: {  	v3 =	vperm.xlane v3, v2;
	v4 =	vadd.s32 v1, v4;
	_ =	sdelay $0x1  }
0x56: {  	v3 =	vadd.s32 v1, v3;
	_ =	sdelay $0x2  }
0x57: {  	[tilespmem:s20], [sflag:$0x1] =	stream.indirect_vreg.gather [hbm4b:s1+s3], $0x80, v4, vm0, $0xb8;
	[tilespmem:$0x8080] =	vst v63  }
0x58: {  	_ = 	snop  }
0x59: {  	[tilespmem:s21], [sflag:$0x1] =	stream.indirect_vreg.gather [hbm4b:s1+s3], $0x80, v3, vm0, $0xb8;
	[tilespmem:$0x8080] =	vst v63  }
0x5a: {  	v3 =	vld [tilespmem:$0x70];
	_ =	sdelay $0x4  }
0x5b: {  	v63 =	vshll.u32 v3, $0x1  }
0x5c: {  	v3 =	vand.u32 $0x7, v3;
	v4 =	vand.u32 $0xFFFFFFF0, v63  }
0x5d: {  	v3 =	vor.u32 v3, v4  }
0x5e: {  	v4 =	vperm.xlane v3, v0;
	_ =	sdelay $0x1  }
0x5f: {  	v3 =	vperm.xlane v3, v2;
	v4 =	vadd.s32 v1, v4;
	_ =	sdelay $0x1  }
0x60: {  	v3 =	vadd.s32 v1, v3;
	_ =	sdelay $0x2  }
0x61: {  	[tilespmem:s22], [sflag:$0x1] =	stream.indirect_vreg.gather [hbm4b:s1+s3], $0x80, v4, vm0, $0xb8;
	[tilespmem:$0x8080] =	vst v63  }
0x62: {  	_ = 	snop  }
0x63: {  	[tilespmem:s23], [sflag:$0x1] =	stream.indirect_vreg.gather [hbm4b:s1+s3], $0x80, v3, vm0, $0xb8;
	[tilespmem:$0x8080] =	vst v63  }
0x64: {  	_ =	swait.ge [sflag:s24], $0x8000  }
0x65: {  	p0 =	sne.s32 s6, $0x1;
	[sflag:s24] =	ssyncset.done $0x0  }
.Ltmp0:
0x66: {  	[sflag:s24] =	ssyncadd.s32 $0xFFFF8000;
	(pc) =	sbr.rel @p0 .LBB2_1-.Ltmp0, $4  }
0x67: {  	[hbm4b:s5+s3] =	stream.linear.scatter [tilespmem:s8], [sflag:$0x2], $0x8000, $0x38;
	[tilespmem:$0x8080] =	vst v63  }
0x68: {  	_ =	swait.ge [sflag:s7], $0x8000  }
0x69: {  	[sflag:s7] =	ssyncset.done $0x0  }
0x6a: {  	s6 =	sadd.s32 $0xFFFFFFFF, s6;
	[sflag:s7] =	ssyncadd.s32 $0xFFFF8000  }
0x6b: {  	_ =	sfence.sel $0x180000  }
0x6c: {  	[bflag:$0x0] =	sbarrier.arrive $0xFFFF  }
0x6d: {  	p0 =	sne.s32 s2, $0x0;
	_ =	strace $0x9000004D  }
0x6e: {  	s0 =	sadd.s32 @!p0 $0x100000, s0;
	[bflag:$0x2] =	sbarrier.arrive $0xFFFF  }
0x6f: {  	[sflag:s0] =	ssyncadd.tile.s32 @!p0 $0x1;
	_ =	shalt  }
.Lfunc_end2:
_tile_overlayer_lowered:
.L_overlay_start_2:
0x70: {  	(tag) =	ssettag $0x2  }
0x71: {  	s0 =	rddreg [dreg:$0x0];
	s2 =	stileid.u32  }
0x72: {  	s1 =	rddreg [dreg:$0x1];
	p0 =	sne.s32 s2, $0x0  }
0x73: {  	s3 =	rddreg [dreg:$0x2];
	[bflag:$0x3] =	sbarrier.arrive $0xFFFF;
	s2 =	simm.s32 @!p0 $0x1C02  }
0x74: {  	[timem:s3], [sflag:s2] =	dma.local @!p0 [hbm:s0], s1  }
0x75: {  	s0 =	simm.s32 @!p0 $0x2  }
0x76: {  	_ =	swait.ge @!p0 [sflag:s0], s1  }
0x77: {  	s1 =	ssub.s32 @!p0 $0x0, s1;
	[sflag:s0] =	ssyncset.done @!p0 $0x0  }
0x78: {  	[sflag:s0] =	ssyncadd.s32 @!p0 s1  }
0x79: {  	[bflag:$0x3] =	sbarrier.arrive $0xFFFF  }
0x7a: {  	_ =	shalt  }

// kernel: kernel.14.cloned.1.call-start
scs
__scs_entry_jumppad:
0x0: {  	(pc) =	sbr.rel $0x88, $3  }
0x1: {  	(tag) =	ssettag $0x0;
	lr =	simm.s32 $0x1  }
0x2: {  	[smem:$0x3F9F] =	sst lr;
	_ =	strace $0xD0000000  }
0x3: {  	_ = 	snop  }
0x4: {  	_ = 	snop  }
0x5: {  	_ = 	snop  }
0x6: {  	_ = 	snop  }
0x7: {  	_ = 	snop  }
__scs_overlays_trampoline_lowered:
0x8: {  	[smem:$0x3FAE] =	sst s0  }
0x9: {  	[smem:$0x3FAF] =	sst s1  }
0xa: {  	[smem:$0x3FB0] =	sst s2  }
0xb: {  	[smem:$0x3FB1] =	sst s3  }
0xc: {  	[smem:$0x3FB2] =	sst s4  }
0xd: {  	[smem:$0x3FB3] =	sst s5  }
0xe: {  	[smem:$0x3FB4] =	sst s6  }
0xf: {  	[smem:$0x3FB5] =	sst s7  }
0x10: {  	[smem:$0x3FB6] =	sst s8  }
0x11: {  	[smem:$0x3FB7] =	sst s9;
	s0 =	simm.s32 @!p0 $0x0  }
0x12: {  	s1 =	sld [smem:$0x3F9D];
	s0 =	simm.s32 @p0 $0x1  }
0x13: {  	[smem:$0x3FB8] =	sst s0;
	s0 =	simm.s32 @!p1 $0x0  }
0x14: {  	s2 =	sld [smem:$0x3F9C];
	s0 =	simm.s32 @p1 $0x1  }
0x15: {  	[smem:$0x3FB9] =	sst s0;
	s0 =	simm.s32 @!p2 $0x0  }
0x16: {  	s3 =	sld [smem:$0x3FDB];
	s0 =	simm.s32 @p2 $0x1  }
0x17: {  	s4 =	simm.s32 $0x1BF5;
	[smem:$0x3FBB] =	sst s0  }
0x18: {  	s0 =	sld [smem:$0x3F9E];
	_ =	swait.ge [sflag:s4], $0x0  }
0x19: {  	s7 =	sld [smem:$0x3F9F]  }
0x1a: {  	s8 =	sadd.s32 $0xFFFFE003, lr  }
0x1b: {  	s9 =	sadd.s32 $0xFFFFFEF7, lr;
	s5 =	simm.s32 $0xFFFFFFFF;
	p2 =	slt.u32 s8, $0xFFFFF086  }
0x1c: {  	p1 =	slt.u32 s9, $0xF7A;
	s5 =	simm.s32 @!p2 $0x0  }
0x1d: {  	s5 =	simm.s32 @p1 $0x1;
	p0 =	seq.s32 s7, s2  }
0x1e: {  	s7 =	smul.u32 @!p0 $0xF7A, s2;
	p2 =	seq.s32 @!p0 s5, $0x0  }
0x1f: {  	s9 =	smul.u32 $0xF7A, s1;
	s8 =	simm.s32 @!p0 $0x1BF5;
	p2 =	por !p2, p0  }
0x20: {  	[sflag:s8] =	ssyncset.s32 @!p0 $0xFFFFF086;
	s6 =	sadd.s32 @!p0 s3, s7;
	s7 =	simm.s32 @!p0 $0x108  }
0x21: {  	s3 =	sadd.s32 s3, s9;
	s6 =	sadd.s32 @!p0 $0x88, s6;
	s7 =	simm.s32 @p2 $0x1082  }
0x22: {  	[simem:s7], [sflag:s8] =	dma.local @!p0 [hbm:s6], $0xF7A  }
0x23: {  	s9 =	sor.u32 $0xD0000000, s2;
	s6 =	simm.s32 $0x108;
	_ =	swait.ge @!p0 [sflag:s8], $0x0  }
0x24: {  	s3 =	sadd.s32 $0x88, s3;
	s6 =	simm.s32 @!p1 $0x1082;
	[sflag:s4] =	ssyncset.s32 $0xFFFFF086  }
0x25: {  	[simem:s6], [sflag:s4] =	dma.local [hbm:s3], $0xF7A  }
0x26: {  	[smem:$0x3F9F] =	sst s1;
	(tag) =	ssettag s2;
	_ =	strace s9  }
0x27: {  	s1 =	sld [smem:$0x3FAF]  }
0x28: {  	s2 =	sld [smem:$0x3FB0]  }
0x29: {  	s4 =	sld [smem:$0x3FB2]  }
0x2a: {  	p0 =	seq.s32 s5, $0x0;
	s5 =	sld [smem:$0x3FB3]  }
0x2b: {  	s6 =	sld [smem:$0x3FB4]  }
0x2c: {  	s7 =	sld [smem:$0x3FB5]  }
0x2d: {  	s3 =	simm.s32 $0x108;
	s8 =	sld [smem:$0x3FB6]  }
0x2e: {  	s3 =	simm.s32 @!p0 $0x1082;
	s9 =	sld [smem:$0x3FB7]  }
0x2f: {  	lr =	sadd.s32 s0, s3;
	s0 =	sld [smem:$0x3FAE]  }
0x30: {  	s3 =	sld [smem:$0x3FB1]  }
0x31: {  	[smem:$0x3FBA] =	sst s10  }
0x32: {  	s10 =	sld [smem:$0x3FB8];
	_ =	sdelay $0x3  }
0x33: {  	p0 =	seq.s32 s10, $0x1;
	s10 =	sld [smem:$0x3FBA];
	_ =	sdelay $0x3  }
0x34: {  	[smem:$0x3FBA] =	sst s10  }
0x35: {  	s10 =	sld [smem:$0x3FB9];
	_ =	sdelay $0x3  }
0x36: {  	p1 =	seq.s32 s10, $0x1;
	s10 =	sld [smem:$0x3FBA];
	_ =	sdelay $0x3  }
0x37: {  	[smem:$0x3FBA] =	sst s10  }
0x38: {  	s10 =	sld [smem:$0x3FBB]  }
0x39: {  	_ = 	snop;
	(pc) =	sbr.ind lr, $3  }
0x3a: {  	_ = 	snop  }
0x3b: {  	_ = 	snop  }
0x3c: {  	p2 =	seq.s32 s10, $0x1;
	s10 =	sld [smem:$0x3FBA]  }
0x3d: {  	_ =	shalt  }
0x3e: {  	_ =	shalt  }
0x3f: {  	_ =	shalt  }
0x40: {  	_ =	shalt  }
0x41: {  	_ =	shalt  }
0x42: {  	_ =	shalt  }
0x43: {  	_ =	shalt  }
0x44: {  	_ =	shalt  }
0x45: {  	_ =	shalt  }
0x46: {  	_ =	shalt  }
0x47: {  	_ =	shalt  }
0x48: {  	_ =	shalt  }
0x49: {  	_ =	shalt  }
0x4a: {  	_ =	shalt  }
0x4b: {  	_ =	shalt  }
0x4c: {  	_ =	shalt  }
0x4d: {  	_ =	shalt  }
0x4e: {  	_ =	shalt  }
0x4f: {  	_ =	shalt  }
0x50: {  	_ =	shalt  }
0x51: {  	_ =	shalt  }
0x52: {  	_ =	shalt  }
0x53: {  	_ =	shalt  }
0x54: {  	_ =	shalt  }
0x55: {  	_ =	shalt  }
0x56: {  	_ =	shalt  }
0x57: {  	_ =	shalt  }
0x58: {  	_ =	shalt  }
0x59: {  	_ =	shalt  }
0x5a: {  	_ =	shalt  }
0x5b: {  	_ =	shalt  }
0x5c: {  	_ =	shalt  }
0x5d: {  	_ =	shalt  }
0x5e: {  	_ =	shalt  }
0x5f: {  	_ =	shalt  }
0x60: {  	_ =	shalt  }
0x61: {  	_ =	shalt  }
0x62: {  	_ =	shalt  }
0x63: {  	_ =	shalt  }
0x64: {  	_ =	shalt  }
0x65: {  	_ =	shalt  }
0x66: {  	_ =	shalt  }
0x67: {  	_ =	shalt  }
0x68: {  	_ =	shalt  }
0x69: {  	_ =	shalt  }
0x6a: {  	_ =	shalt  }
0x6b: {  	_ =	shalt  }
0x6c: {  	_ =	shalt  }
0x6d: {  	_ =	shalt  }
0x6e: {  	_ =	shalt  }
0x6f: {  	_ =	shalt  }
0x70: {  	_ =	shalt  }
0x71: {  	_ =	shalt  }
0x72: {  	_ =	shalt  }
0x73: {  	_ =	shalt  }
0x74: {  	_ =	shalt  }
0x75: {  	_ =	shalt  }
0x76: {  	_ =	shalt  }
0x77: {  	_ =	shalt  }
0x78: {  	_ =	shalt  }
0x79: {  	_ =	shalt  }
0x7a: {  	_ =	shalt  }
0x7b: {  	_ =	shalt  }
0x7c: {  	_ =	shalt  }
0x7d: {  	_ =	shalt  }
0x7e: {  	_ =	shalt  }
0x7f: {  	_ =	shalt  }
0x80: {  	_ =	shalt  }
0x81: {  	_ =	shalt  }
0x82: {  	_ =	shalt  }
0x83: {  	_ =	shalt  }
0x84: {  	_ =	shalt  }
0x85: {  	_ =	shalt  }
0x86: {  	_ =	shalt  }
0x87: {  	_ =	shalt  }
.Lfunc_end0:
.L_simem_size_0:
called_computation.2_lowered:
.L_overlay_start_0:
0x88: {  	s2 =	sld [smem:$0x3FD9]  }
0x89: {  	s3 =	sld [smem:$0x3FFE];
	_ =	sdelay $0x1  }
0x8a: {  	s1 =	srdreg.scid  }
0x8b: {  	s0 =	sand.u32 $0x1, s1  }
0x8c: {  	s16 =	sshll.u32 s0, $0xA;
	s2 =	sadd.s32 s3, s2  }
0x8d: {  	s2 =	sadd.s32 s2, s16  }
0x8e: {  	[smem:$0x3FC6] =	sst s2  }
0x8f: {  	_ = 	snop  }
0x90: {  	(tm) =	ssettm $0x1  }
0x91: {  	s17 =	sld [smem:$0x3FFB];
	_ =	sdelay $0x3  }
0x92: {  	_ =	strace s17  }
0x93: {  	s2 =	sld [smem:$0x3FFC];
	_ =	sdelay $0x3  }
0x94: {  	_ =	strace s2  }
0x95: {  	s2 =	sld [smem:$0x3FFD];
	_ =	sdelay $0x3  }
0x96: {  	_ =	strace s2  }
0x97: {  	_ =	strace $0x8FFFFFFF  }
0x98: {  	s18 =	sld [smem:$0x3FDB];
	_ =	sdelay $0x1  }
0x99: {  	s19 =	simm.s32 $_scs_section_size  }
0x9a: {  	s4 =	simm.s32 $_size__tile_overlayer_lowered;
	s5 =	simm.s32 $_tile_overlayer_lowered  }
0x9b: {  	s22 =	simm.s32 $0x1BFF;
	s21 =	sshll.u32 s5, $0x1;
	s2 =	sadd.s32 s19, s18  }
0x9c: {  	s6 =	simm.s32 $0x0;
	s20 =	sshll.u32 s4, $0x1;
	s4 =	sadd.s32 s21, s2  }
0x9d: {  	[timem:s6], [sflag:s22] =	dma.local [hbm:s4], s20  }
0x9e: {  	_ =	swait.ge [sflag:s22], s20  }
0x9f: {  	s3 =	ssub.s32 $0x0, s20;
	[sflag:s22] =	ssyncset.done $0x0  }
0xa0: {  	[sflag:s22] =	ssyncadd.s32 s3;
	_ =	sdelay $0x1  }
0xa1: {  	s23 =	simm.s32 $0x1B8B  }
0xa2: {  	_ =	swait.ge [sflag:s23], $0x1  }
0xa3: {  	[sflag:s23] =	ssyncset.done $0x0  }
0xa4: {  	s25 =	simm.s32 $0x1B8E;
	s24 =	sld [smem:$0x3FFE];
	[sflag:s23] =	ssyncadd.s32 $0xFFFFFFFF  }
0xa5: {  	s26 =	simm.s32 $execute0_lowered;
	[smem:$0x3FD2] =	sst s25  }
0xa6: {  	s4 =	sshll.u32 s26, $0x1;
	_ =	strace $0x80000049;
	[dreg:$0x1] =	wrdreg $0xFFFFFFFF  }
0xa7: {  	s28 =	simm.s32 $_size_execute0_lowered;
	s2 =	sadd.s32 s2, s4;
	[dreg:$0x0] =	wrdreg $0x0  }
0xa8: {  	s4 =	sshll.u32 s28, $0x1;
	[dreg:$0x2] =	wrdreg s2  }
0xa9: {  	[dreg:$0x3] =	wrdreg s4  }
0xaa: {  	[dreg:$0x4] =	wrdreg $0xC0  }
0xab: {  	_ =	task [dreg:s6], $0x5FFFF  }
0xac: {  	[dreg:$0x1] =	wrdreg $0xFFFFFFFF  }
0xad: {  	[dreg:$0x0] =	wrdreg $0x60  }
0xae: {  	[dreg:$0x2] =	wrdreg s24  }
0xaf: {  	[dreg:$0x3] =	wrdreg $0xA  }
0xb0: {  	_ =	task.clear_ibuf [dreg:s6], $0x4FFFF;
	_ =	strace $0x90000049  }
0xb1: {  	s29 =	simm.s32 $0xA;
	_ =	strace $0x8000004B  }
0xb2: {  	_ =	swait.ge [sflag:s29], $0x1  }
0xb3: {  	[sflag:s29] =	ssyncadd.s32 $0xFFFFFFFF  }
0xb4: {  	_ =	strace $0x9000004B  }
0xb5: {  	_ =	sfence  }
0xb6: {  	s30 =	sld [smem:$0x0];
	_ =	sdelay $0x2  }
0xb7: {  	s31 =	sshll.u32 s1, $0xD;
	s1 =	sshrl.u32 s1, $0x2  }
0xb8: {  	s3 =	sand.u32 $0x4000, s31;
	s1 =	sadd.s32 s1, s30  }
0xb9: {  	s0 =	sor.u32 s3, s0;
	s1 =	sshll.u32 s1, $0x11  }
0xba: {  	s0 =	sor.u32 s1, s0  }
0xbb: {  	s0 =	sadd.s32 $0x8F2B, s0  }
0xbc: {  	[sflag:s0] =	ssyncadd.remote.s32 $0x1  }
0xbd: {  	_ =	sfence.sel $0xFFFF  }
0xbe: {  	[dreg:$0x0] =	wrdreg $0xFFFFFFFF;
	(pc) =	sbr.abs _section_cstart, $3  }
0xbf: {  	[dreg:$0x1] =	wrdreg $0xFFFFFFFF  }
0xc0: {  	_ =	task.clear_ibuf [dreg:s6], $0x2FFFF;
	_ =	strace $0x9FFFFFFF  }
0xc1: {  	(tm) =	ssettm $0x7FFFFFFF  }
tec
execute0_lowered:
.L_overlay_start_1:
0x0: {  	(tag) =	ssettag $0x1  }
0x1: {  	s1 =	srdreg.scid  }
0x2: {  	s0 =	stileid.u32;
	s21 =	sand.u32 $0x1, s1  }
0x3: {  	s31 =	sshll.u32 s0, $0xD;
	s2 =	sshll.u32 s21, $0xC  }
0x4: {  	s9 =	rddreg [dreg:$0x0];
	s10 =	sor.u32 s2, s31  }
0x5: {  	s1 =	rddreg [dreg:$0x1];
	s2 =	simm.s32 $0x0;
	s3 =	sshrl.u32 s10, $0x3  }
0x6: {  	[smem:$0x7FF] =	sst s2;
	s3 =	sadd.s32 s3, s9  }
0x7: {  	_ =	strace $0x8000004A;
	s4 =	sadd.s32 $0x11A00, s3;
	s3 =	simm.s32 $0x2  }
0x8: {  	[tilespmem:s2], [sflag:$0x2] =	stream.linear.gather [hbm4b:s4+s2], $0x1000, $0x38;
	[tilespmem:$0x3000] =	vst v63  }
0x9: {  	_ =	swait.ge [sflag:s3], $0x1000  }
0xa: {  	s6 =	simm.s32 $0x200;
	s7 =	simm.s32 $0x1000;
	[sflag:s3] =	ssyncset.done $0x0  }
0xb: {  	s8 =	simm.s32 $0x1;
	s5 =	sadd.s32 $0x101A00, s9;
	[sflag:s3] =	ssyncadd.s32 $0xFFFFF000  }
0xc: {  	[tilespmem:s7], [sflag:$0x1] =	stream.indirect.gather [hbm4b:s5+s6], $0x10, s2, s6, $0xb8;
	[tilespmem:$0x3000] =	vst v63  }
0xd: {  	s10 =	sshll.u32 s10, $0x1;
	_ =	swait.ge [sflag:s8], $0x2000  }
0xe: {  	s22 =	sadd.s32 s10, s9;
	[sflag:s8] =	ssyncset.done $0x0  }
0xf: {  	s9 =	sadd.s32 $0x15A00, s22;
	[sflag:s8] =	ssyncadd.s32 $0xFFFFE000  }
0x10: {  	[hbm4b:s9+s2] =	stream.linear.scatter [tilespmem:s7], [sflag:$0x2], $0x2000, $0x38;
	[tilespmem:$0x3000] =	vst v63  }
0x11: {  	_ =	swait.ge [sflag:s3], $0x2000  }
0x12: {  	[sflag:s3] =	ssyncset.done $0x0  }
0x13: {  	[sflag:s3] =	ssyncadd.s32 $0xFFFFE000  }
0x14: {  	[tilespmem:s7], [sflag:$0x1] =	stream.indirect.gather [hbm4b:s5+s6], $0x10, s6, s6, $0xb8;
	[tilespmem:$0x3000] =	vst v63  }
0x15: {  	_ =	swait.ge [sflag:s8], $0x2000  }
0x16: {  	[sflag:s8] =	ssyncset.done $0x0  }
0x17: {  	s10 =	sadd.s32 $0x15E00, s22;
	[sflag:s8] =	ssyncadd.s32 $0xFFFFE000  }
0x18: {  	[hbm4b:s10+s2] =	stream.linear.scatter [tilespmem:s7], [sflag:$0x2], $0x2000, $0x38;
	[tilespmem:$0x3000] =	vst v63  }
0x19: {  	_ =	swait.ge [sflag:s3], $0x2000  }
0x1a: {  	[sflag:s3] =	ssyncset.done $0x0  }
0x1b: {  	s11 =	simm.s32 $0x400;
	[sflag:s3] =	ssyncadd.s32 $0xFFFFE000  }
0x1c: {  	[tilespmem:s7], [sflag:$0x1] =	stream.indirect.gather [hbm4b:s5+s6], $0x10, s11, s6, $0xb8;
	[tilespmem:$0x3000] =	vst v63  }
0x1d: {  	_ =	swait.ge [sflag:s8], $0x2000  }
0x1e: {  	[sflag:s8] =	ssyncset.done $0x0  }
0x1f: {  	s12 =	sadd.s32 $0x16200, s22;
	[sflag:s8] =	ssyncadd.s32 $0xFFFFE000  }
0x20: {  	[hbm4b:s12+s2] =	stream.linear.scatter [tilespmem:s7], [sflag:$0x2], $0x2000, $0x38;
	[tilespmem:$0x3000] =	vst v63  }
0x21: {  	_ =	swait.ge [sflag:s3], $0x2000  }
0x22: {  	[sflag:s3] =	ssyncset.done $0x0  }
0x23: {  	s13 =	simm.s32 $0x600;
	[sflag:s3] =	ssyncadd.s32 $0xFFFFE000  }
0x24: {  	[tilespmem:s7], [sflag:$0x1] =	stream.indirect.gather [hbm4b:s5+s6], $0x10, s13, s6, $0xb8;
	[tilespmem:$0x3000] =	vst v63  }
0x25: {  	_ =	swait.ge [sflag:s8], $0x2000  }
0x26: {  	[sflag:s8] =	ssyncset.done $0x0  }
0x27: {  	s14 =	sadd.s32 $0x16600, s22;
	[sflag:s8] =	ssyncadd.s32 $0xFFFFE000  }
0x28: {  	[hbm4b:s14+s2] =	stream.linear.scatter [tilespmem:s7], [sflag:$0x2], $0x2000, $0x38;
	[tilespmem:$0x3000] =	vst v63  }
0x29: {  	_ =	swait.ge [sflag:s3], $0x2000  }
0x2a: {  	[sflag:s3] =	ssyncset.done $0x0  }
0x2b: {  	s15 =	simm.s32 $0x800;
	[sflag:s3] =	ssyncadd.s32 $0xFFFFE000  }
0x2c: {  	[tilespmem:s7], [sflag:$0x1] =	stream.indirect.gather [hbm4b:s5+s6], $0x10, s15, s6, $0xb8;
	[tilespmem:$0x3000] =	vst v63  }
0x2d: {  	_ =	swait.ge [sflag:s8], $0x2000  }
0x2e: {  	[sflag:s8] =	ssyncset.done $0x0  }
0x2f: {  	s16 =	sadd.s32 $0x16A00, s22;
	[sflag:s8] =	ssyncadd.s32 $0xFFFFE000  }
0x30: {  	[hbm4b:s16+s2] =	stream.linear.scatter [tilespmem:s7], [sflag:$0x2], $0x2000, $0x38;
	[tilespmem:$0x3000] =	vst v63  }
0x31: {  	_ =	swait.ge [sflag:s3], $0x2000  }
0x32: {  	[sflag:s3] =	ssyncset.done $0x0  }
0x33: {  	s17 =	simm.s32 $0xA00;
	[sflag:s3] =	ssyncadd.s32 $0xFFFFE000  }
0x34: {  	[tilespmem:s7], [sflag:$0x1] =	stream.indirect.gather [hbm4b:s5+s6], $0x10, s17, s6, $0xb8;
	[tilespmem:$0x3000] =	vst v63  }
0x35: {  	_ =	swait.ge [sflag:s8], $0x2000  }
0x36: {  	[sflag:s8] =	ssyncset.done $0x0  }
0x37: {  	s18 =	sadd.s32 $0x16E00, s22;
	[sflag:s8] =	ssyncadd.s32 $0xFFFFE000  }
0x38: {  	[hbm4b:s18+s2] =	stream.linear.scatter [tilespmem:s7], [sflag:$0x2], $0x2000, $0x38;
	[tilespmem:$0x3000] =	vst v63  }
0x39: {  	_ =	swait.ge [sflag:s3], $0x2000  }
0x3a: {  	[sflag:s3] =	ssyncset.done $0x0  }
0x3b: {  	s19 =	simm.s32 $0xC00;
	[sflag:s3] =	ssyncadd.s32 $0xFFFFE000  }
0x3c: {  	[tilespmem:s7], [sflag:$0x1] =	stream.indirect.gather [hbm4b:s5+s6], $0x10, s19, s6, $0xb8;
	[tilespmem:$0x3000] =	vst v63  }
0x3d: {  	_ =	swait.ge [sflag:s8], $0x2000  }
0x3e: {  	[sflag:s8] =	ssyncset.done $0x0  }
0x3f: {  	s23 =	ssub.s32 $0x2, s21;
	s20 =	sadd.s32 $0x17200, s22;
	[sflag:s8] =	ssyncadd.s32 $0xFFFFE000  }
0x40: {  	[hbm4b:s20+s2] =	stream.linear.scatter [tilespmem:s7], [sflag:$0x2], $0x2000, $0x38;
	[tilespmem:$0x3000] =	vst v63  }
0x41: {  	s24 =	sshrl.u32 s23, $0x1;
	_ =	swait.ge [sflag:s3], $0x2000  }
0x42: {  	s23 =	ssub.s32 s23, s24;
	[sflag:s3] =	ssyncset.done $0x0  }
0x43: {  	s21 =	simm.s32 $0xE00;
	s23 =	smax.u32 s23, $0x1;
	[sflag:s3] =	ssyncadd.s32 $0xFFFFE000  }
0x44: {  	[tilespmem:s7], [sflag:$0x1] =	stream.indirect.gather [hbm4b:s5+s6], $0x10, s21, s6, $0xb8;
	[tilespmem:$0x3000] =	vst v63  }
0x45: {  	p0 =	sne.s32 s23, $0x1;
	_ =	swait.ge [sflag:s8], $0x2000  }
.Ltmp0:
0x46: {  	[sflag:s8] =	ssyncset.done $0x0;
	(pc) =	sbr.rel @!p0 .LBB2_2-.Ltmp0, $4  }
0x47: {  	s22 =	sadd.s32 $0x17600, s22;
	[sflag:s8] =	ssyncadd.s32 $0xFFFFE000  }
0x48: {  	[hbm4b:s22+s2] =	stream.linear.scatter [tilespmem:s7], [sflag:$0x2], $0x2000, $0x38;
	[tilespmem:$0x3000] =	vst v63  }
0x49: {  	_ =	swait.ge [sflag:s3], $0x2000  }
0x4a: {  	s23 =	sadd.s32 $0xFFFFFFFF, s23;
	[sflag:s3] =	ssyncset.done $0x0  }
.LBB2_1:
0x4b: {  	p0 =	sne.s32 s23, $0x1;
	s23 =	sadd.s32 $0xFFFFFFFF, s23;
	[sflag:s3] =	ssyncadd.s32 $0xFFFFE000  }
0x4c: {  	[tilespmem:s2], [sflag:$0x2] =	stream.linear.gather [hbm4b:s4+s2], $0x1000, $0x38;
	[tilespmem:$0x3000] =	vst v63  }
0x4d: {  	_ =	swait.ge [sflag:s3], $0x1000  }
0x4e: {  	[sflag:s3] =	ssyncset.done $0x0  }
0x4f: {  	[sflag:s3] =	ssyncadd.s32 $0xFFFFF000  }
0x50: {  	[tilespmem:s7], [sflag:$0x1] =	stream.indirect.gather [hbm4b:s5+s6], $0x10, s2, s6, $0xb8;
	[tilespmem:$0x3000] =	vst v63  }
0x51: {  	_ =	swait.ge [sflag:s8], $0x2000  }
0x52: {  	[sflag:s8] =	ssyncset.done $0x0  }
0x53: {  	[sflag:s8] =	ssyncadd.s32 $0xFFFFE000  }
0x54: {  	[hbm4b:s9+s2] =	stream.linear.scatter [tilespmem:s7], [sflag:$0x2], $0x2000, $0x38;
	[tilespmem:$0x3000] =	vst v63  }
0x55: {  	_ =	swait.ge [sflag:s3], $0x2000  }
0x56: {  	[sflag:s3] =	ssyncset.done $0x0  }
0x57: {  	[sflag:s3] =	ssyncadd.s32 $0xFFFFE000  }
0x58: {  	[tilespmem:s7], [sflag:$0x1] =	stream.indirect.gather [hbm4b:s5+s6], $0x10, s6, s6, $0xb8;
	[tilespmem:$0x3000] =	vst v63  }
0x59: {  	_ =	swait.ge [sflag:s8], $0x2000  }
0x5a: {  	[sflag:s8] =	ssyncset.done $0x0  }
0x5b: {  	[sflag:s8] =	ssyncadd.s32 $0xFFFFE000  }
0x5c: {  	[hbm4b:s10+s2] =	stream.linear.scatter [tilespmem:s7], [sflag:$0x2], $0x2000, $0x38;
	[tilespmem:$0x3000] =	vst v63  }
0x5d: {  	_ =	swait.ge [sflag:s3], $0x2000  }
0x5e: {  	[sflag:s3] =	ssyncset.done $0x0  }
0x5f: {  	[sflag:s3] =	ssyncadd.s32 $0xFFFFE000  }
0x60: {  	[tilespmem:s7], [sflag:$0x1] =	stream.indirect.gather [hbm4b:s5+s6], $0x10, s11, s6, $0xb8;
	[tilespmem:$0x3000] =	vst v63  }
0x61: {  	_ =	swait.ge [sflag:s8], $0x2000  }
0x62: {  	[sflag:s8] =	ssyncset.done $0x0  }
0x63: {  	[sflag:s8] =	ssyncadd.s32 $0xFFFFE000  }
0x64: {  	[hbm4b:s12+s2] =	stream.linear.scatter [tilespmem:s7], [sflag:$0x2], $0x2000, $0x38;
	[tilespmem:$0x3000] =	vst v63  }
0x65: {  	_ =	swait.ge [sflag:s3], $0x2000  }
0x66: {  	[sflag:s3] =	ssyncset.done $0x0  }
0x67: {  	[sflag:s3] =	ssyncadd.s32 $0xFFFFE000  }
0x68: {  	[tilespmem:s7], [sflag:$0x1] =	stream.indirect.gather [hbm4b:s5+s6], $0x10, s13, s6, $0xb8;
	[tilespmem:$0x3000] =	vst v63  }
0x69: {  	_ =	swait.ge [sflag:s8], $0x2000  }
0x6a: {  	[sflag:s8] =	ssyncset.done $0x0  }
0x6b: {  	[sflag:s8] =	ssyncadd.s32 $0xFFFFE000  }
0x6c: {  	[hbm4b:s14+s2] =	stream.linear.scatter [tilespmem:s7], [sflag:$0x2], $0x2000, $0x38;
	[tilespmem:$0x3000] =	vst v63  }
0x6d: {  	_ =	swait.ge [sflag:s3], $0x2000  }
0x6e: {  	[sflag:s3] =	ssyncset.done $0x0  }
0x6f: {  	[sflag:s3] =	ssyncadd.s32 $0xFFFFE000  }
0x70: {  	[tilespmem:s7], [sflag:$0x1] =	stream.indirect.gather [hbm4b:s5+s6], $0x10, s15, s6, $0xb8;
	[tilespmem:$0x3000] =	vst v63  }
0x71: {  	_ =	swait.ge [sflag:s8], $0x2000  }
0x72: {  	[sflag:s8] =	ssyncset.done $0x0  }
0x73: {  	[sflag:s8] =	ssyncadd.s32 $0xFFFFE000  }
0x74: {  	[hbm4b:s16+s2] =	stream.linear.scatter [tilespmem:s7], [sflag:$0x2], $0x2000, $0x38;
	[tilespmem:$0x3000] =	vst v63  }
0x75: {  	_ =	swait.ge [sflag:s3], $0x2000  }
0x76: {  	[sflag:s3] =	ssyncset.done $0x0  }
0x77: {  	[sflag:s3] =	ssyncadd.s32 $0xFFFFE000  }
0x78: {  	[tilespmem:s7], [sflag:$0x1] =	stream.indirect.gather [hbm4b:s5+s6], $0x10, s17, s6, $0xb8;
	[tilespmem:$0x3000] =	vst v63  }
0x79: {  	_ =	swait.ge [sflag:s8], $0x2000  }
0x7a: {  	[sflag:s8] =	ssyncset.done $0x0  }
0x7b: {  	[sflag:s8] =	ssyncadd.s32 $0xFFFFE000  }
0x7c: {  	[hbm4b:s18+s2] =	stream.linear.scatter [tilespmem:s7], [sflag:$0x2], $0x2000, $0x38;
	[tilespmem:$0x3000] =	vst v63  }
0x7d: {  	_ =	swait.ge [sflag:s3], $0x2000  }
0x7e: {  	[sflag:s3] =	ssyncset.done $0x0  }
0x7f: {  	[sflag:s3] =	ssyncadd.s32 $0xFFFFE000  }
0x80: {  	[tilespmem:s7], [sflag:$0x1] =	stream.indirect.gather [hbm4b:s5+s6], $0x10, s19, s6, $0xb8;
	[tilespmem:$0x3000] =	vst v63  }
0x81: {  	_ =	swait.ge [sflag:s8], $0x2000  }
0x82: {  	[sflag:s8] =	ssyncset.done $0x0  }
0x83: {  	[sflag:s8] =	ssyncadd.s32 $0xFFFFE000  }
0x84: {  	[hbm4b:s20+s2] =	stream.linear.scatter [tilespmem:s7], [sflag:$0x2], $0x2000, $0x38;
	[tilespmem:$0x3000] =	vst v63  }
0x85: {  	_ =	swait.ge [sflag:s3], $0x2000  }
0x86: {  	[sflag:s3] =	ssyncset.done $0x0  }
0x87: {  	[sflag:s3] =	ssyncadd.s32 $0xFFFFE000  }
0x88: {  	[tilespmem:s7], [sflag:$0x1] =	stream.indirect.gather [hbm4b:s5+s6], $0x10, s21, s6, $0xb8;
	[tilespmem:$0x3000] =	vst v63  }
0x89: {  	_ =	swait.ge [sflag:s8], $0x2000  }
.Ltmp1:
0x8a: {  	[sflag:s8] =	ssyncset.done $0x0;
	(pc) =	sbr.rel @p0 .LBB2_1-.Ltmp1, $4  }
0x8b: {  	[sflag:s8] =	ssyncadd.s32 $0xFFFFE000  }
0x8c: {  	[hbm4b:s22+s2] =	stream.linear.scatter [tilespmem:s7], [sflag:$0x2], $0x2000, $0x38;
	[tilespmem:$0x3000] =	vst v63  }
0x8d: {  	_ =	swait.ge [sflag:s3], $0x2000  }
0x8e: {  	[sflag:s3] =	ssyncset.done $0x0  }
.LBB2_2:
0x8f: {  	[sflag:s3] =	ssyncadd.s32 $0xFFFFE000  }
0x90: {  	_ =	sfence.sel $0x180000  }
0x91: {  	[bflag:$0x0] =	sbarrier.arrive $0xFFFF  }
0x92: {  	p0 =	sne.s32 s0, $0x0;
	_ =	strace $0x9000004A  }
0x93: {  	s0 =	sadd.s32 @!p0 $0x100000, s1;
	[bflag:$0x2] =	sbarrier.arrive $0xFFFF  }
0x94: {  	[sflag:s0] =	ssyncadd.tile.s32 @!p0 $0x1;
	_ =	shalt  }
.Lfunc_end2:
_tile_overlayer_lowered:
.L_overlay_start_2:
0x95: {  	(tag) =	ssettag $0x2  }
0x96: {  	s0 =	rddreg [dreg:$0x0];
	s2 =	stileid.u32  }
0x97: {  	s1 =	rddreg [dreg:$0x1];
	p0 =	sne.s32 s2, $0x0  }
0x98: {  	s3 =	rddreg [dreg:$0x2];
	[bflag:$0x3] =	sbarrier.arrive $0xFFFF;
	s2 =	simm.s32 @!p0 $0x1C02  }
0x99: {  	[timem:s3], [sflag:s2] =	dma.local @!p0 [hbm:s0], s1  }
0x9a: {  	s0 =	simm.s32 @!p0 $0x2  }
0x9b: {  	_ =	swait.ge @!p0 [sflag:s0], s1  }
0x9c: {  	s1 =	ssub.s32 @!p0 $0x0, s1;
	[sflag:s0] =	ssyncset.done @!p0 $0x0  }
0x9d: {  	[sflag:s0] =	ssyncadd.s32 @!p0 s1  }
0x9e: {  	[bflag:$0x3] =	sbarrier.arrive $0xFFFF  }
0x9f: {  	_ =	shalt  }

// kernel: kernel.17.cloned.1.call-start
scs
__scs_entry_jumppad:
0x0: {  	(pc) =	sbr.rel $0x88, $3  }
0x1: {  	(tag) =	ssettag $0x0;
	lr =	simm.s32 $0x1  }
0x2: {  	[smem:$0x3F9F] =	sst lr;
	_ =	strace $0xD0000000  }
0x3: {  	_ = 	snop  }
0x4: {  	_ = 	snop  }
0x5: {  	_ = 	snop  }
0x6: {  	_ = 	snop  }
0x7: {  	_ = 	snop  }
__scs_overlays_trampoline_lowered:
0x8: {  	[smem:$0x3FAE] =	sst s0  }
0x9: {  	[smem:$0x3FAF] =	sst s1  }
0xa: {  	[smem:$0x3FB0] =	sst s2  }
0xb: {  	[smem:$0x3FB1] =	sst s3  }
0xc: {  	[smem:$0x3FB2] =	sst s4  }
0xd: {  	[smem:$0x3FB3] =	sst s5  }
0xe: {  	[smem:$0x3FB4] =	sst s6  }
0xf: {  	[smem:$0x3FB5] =	sst s7  }
0x10: {  	[smem:$0x3FB6] =	sst s8  }
0x11: {  	[smem:$0x3FB7] =	sst s9;
	s0 =	simm.s32 @!p0 $0x0  }
0x12: {  	s1 =	sld [smem:$0x3F9D];
	s0 =	simm.s32 @p0 $0x1  }
0x13: {  	[smem:$0x3FB8] =	sst s0;
	s0 =	simm.s32 @!p1 $0x0  }
0x14: {  	s2 =	sld [smem:$0x3F9C];
	s0 =	simm.s32 @p1 $0x1  }
0x15: {  	[smem:$0x3FB9] =	sst s0;
	s0 =	simm.s32 @!p2 $0x0  }
0x16: {  	s3 =	sld [smem:$0x3FDB];
	s0 =	simm.s32 @p2 $0x1  }
0x17: {  	s4 =	simm.s32 $0x1BF5;
	[smem:$0x3FBB] =	sst s0  }
0x18: {  	s0 =	sld [smem:$0x3F9E];
	_ =	swait.ge [sflag:s4], $0x0  }
0x19: {  	s7 =	sld [smem:$0x3F9F]  }
0x1a: {  	s8 =	sadd.s32 $0xFFFFE003, lr  }
0x1b: {  	s9 =	sadd.s32 $0xFFFFFEF7, lr;
	s5 =	simm.s32 $0xFFFFFFFF;
	p2 =	slt.u32 s8, $0xFFFFF086  }
0x1c: {  	p1 =	slt.u32 s9, $0xF7A;
	s5 =	simm.s32 @!p2 $0x0  }
0x1d: {  	s5 =	simm.s32 @p1 $0x1;
	p0 =	seq.s32 s7, s2  }
0x1e: {  	s7 =	smul.u32 @!p0 $0xF7A, s2;
	p2 =	seq.s32 @!p0 s5, $0x0  }
0x1f: {  	s9 =	smul.u32 $0xF7A, s1;
	s8 =	simm.s32 @!p0 $0x1BF5;
	p2 =	por !p2, p0  }
0x20: {  	[sflag:s8] =	ssyncset.s32 @!p0 $0xFFFFF086;
	s6 =	sadd.s32 @!p0 s3, s7;
	s7 =	simm.s32 @!p0 $0x108  }
0x21: {  	s3 =	sadd.s32 s3, s9;
	s6 =	sadd.s32 @!p0 $0x88, s6;
	s7 =	simm.s32 @p2 $0x1082  }
0x22: {  	[simem:s7], [sflag:s8] =	dma.local @!p0 [hbm:s6], $0xF7A  }
0x23: {  	s9 =	sor.u32 $0xD0000000, s2;
	s6 =	simm.s32 $0x108;
	_ =	swait.ge @!p0 [sflag:s8], $0x0  }
0x24: {  	s3 =	sadd.s32 $0x88, s3;
	s6 =	simm.s32 @!p1 $0x1082;
	[sflag:s4] =	ssyncset.s32 $0xFFFFF086  }
0x25: {  	[simem:s6], [sflag:s4] =	dma.local [hbm:s3], $0xF7A  }
0x26: {  	[smem:$0x3F9F] =	sst s1;
	(tag) =	ssettag s2;
	_ =	strace s9  }
0x27: {  	s1 =	sld [smem:$0x3FAF]  }
0x28: {  	s2 =	sld [smem:$0x3FB0]  }
0x29: {  	s4 =	sld [smem:$0x3FB2]  }
0x2a: {  	p0 =	seq.s32 s5, $0x0;
	s5 =	sld [smem:$0x3FB3]  }
0x2b: {  	s6 =	sld [smem:$0x3FB4]  }
0x2c: {  	s7 =	sld [smem:$0x3FB5]  }
0x2d: {  	s3 =	simm.s32 $0x108;
	s8 =	sld [smem:$0x3FB6]  }
0x2e: {  	s3 =	simm.s32 @!p0 $0x1082;
	s9 =	sld [smem:$0x3FB7]  }
0x2f: {  	lr =	sadd.s32 s0, s3;
	s0 =	sld [smem:$0x3FAE]  }
0x30: {  	s3 =	sld [smem:$0x3FB1]  }
0x31: {  	[smem:$0x3FBA] =	sst s10  }
0x32: {  	s10 =	sld [smem:$0x3FB8];
	_ =	sdelay $0x3  }
0x33: {  	p0 =	seq.s32 s10, $0x1;
	s10 =	sld [smem:$0x3FBA];
	_ =	sdelay $0x3  }
0x34: {  	[smem:$0x3FBA] =	sst s10  }
0x35: {  	s10 =	sld [smem:$0x3FB9];
	_ =	sdelay $0x3  }
0x36: {  	p1 =	seq.s32 s10, $0x1;
	s10 =	sld [smem:$0x3FBA];
	_ =	sdelay $0x3  }
0x37: {  	[smem:$0x3FBA] =	sst s10  }
0x38: {  	s10 =	sld [smem:$0x3FBB]  }
0x39: {  	_ = 	snop;
	(pc) =	sbr.ind lr, $3  }
0x3a: {  	_ = 	snop  }
0x3b: {  	_ = 	snop  }
0x3c: {  	p2 =	seq.s32 s10, $0x1;
	s10 =	sld [smem:$0x3FBA]  }
0x3d: {  	_ =	shalt  }
0x3e: {  	_ =	shalt  }
0x3f: {  	_ =	shalt  }
0x40: {  	_ =	shalt  }
0x41: {  	_ =	shalt  }
0x42: {  	_ =	shalt  }
0x43: {  	_ =	shalt  }
0x44: {  	_ =	shalt  }
0x45: {  	_ =	shalt  }
0x46: {  	_ =	shalt  }
0x47: {  	_ =	shalt  }
0x48: {  	_ =	shalt  }
0x49: {  	_ =	shalt  }
0x4a: {  	_ =	shalt  }
0x4b: {  	_ =	shalt  }
0x4c: {  	_ =	shalt  }
0x4d: {  	_ =	shalt  }
0x4e: {  	_ =	shalt  }
0x4f: {  	_ =	shalt  }
0x50: {  	_ =	shalt  }
0x51: {  	_ =	shalt  }
0x52: {  	_ =	shalt  }
0x53: {  	_ =	shalt  }
0x54: {  	_ =	shalt  }
0x55: {  	_ =	shalt  }
0x56: {  	_ =	shalt  }
0x57: {  	_ =	shalt  }
0x58: {  	_ =	shalt  }
0x59: {  	_ =	shalt  }
0x5a: {  	_ =	shalt  }
0x5b: {  	_ =	shalt  }
0x5c: {  	_ =	shalt  }
0x5d: {  	_ =	shalt  }
0x5e: {  	_ =	shalt  }
0x5f: {  	_ =	shalt  }
0x60: {  	_ =	shalt  }
0x61: {  	_ =	shalt  }
0x62: {  	_ =	shalt  }
0x63: {  	_ =	shalt  }
0x64: {  	_ =	shalt  }
0x65: {  	_ =	shalt  }
0x66: {  	_ =	shalt  }
0x67: {  	_ =	shalt  }
0x68: {  	_ =	shalt  }
0x69: {  	_ =	shalt  }
0x6a: {  	_ =	shalt  }
0x6b: {  	_ =	shalt  }
0x6c: {  	_ =	shalt  }
0x6d: {  	_ =	shalt  }
0x6e: {  	_ =	shalt  }
0x6f: {  	_ =	shalt  }
0x70: {  	_ =	shalt  }
0x71: {  	_ =	shalt  }
0x72: {  	_ =	shalt  }
0x73: {  	_ =	shalt  }
0x74: {  	_ =	shalt  }
0x75: {  	_ =	shalt  }
0x76: {  	_ =	shalt  }
0x77: {  	_ =	shalt  }
0x78: {  	_ =	shalt  }
0x79: {  	_ =	shalt  }
0x7a: {  	_ =	shalt  }
0x7b: {  	_ =	shalt  }
0x7c: {  	_ =	shalt  }
0x7d: {  	_ =	shalt  }
0x7e: {  	_ =	shalt  }
0x7f: {  	_ =	shalt  }
0x80: {  	_ =	shalt  }
0x81: {  	_ =	shalt  }
0x82: {  	_ =	shalt  }
0x83: {  	_ =	shalt  }
0x84: {  	_ =	shalt  }
0x85: {  	_ =	shalt  }
0x86: {  	_ =	shalt  }
0x87: {  	_ =	shalt  }
.Lfunc_end0:
.L_simem_size_0:
called_computation.3_lowered:
.L_overlay_start_0:
0x88: {  	s2 =	sld [smem:$0x3FD9]  }
0x89: {  	s3 =	sld [smem:$0x3FFE];
	_ =	sdelay $0x1  }
0x8a: {  	s1 =	srdreg.scid  }
0x8b: {  	s0 =	sand.u32 $0x1, s1  }
0x8c: {  	s15 =	sshll.u32 s0, $0xA;
	s2 =	sadd.s32 s3, s2  }
0x8d: {  	s2 =	sadd.s32 s2, s15  }
0x8e: {  	[smem:$0x3FC6] =	sst s2  }
0x8f: {  	_ = 	snop  }
0x90: {  	s16 =	sld [smem:$0x3FD0];
	_ =	sdelay $0x2  }
0x91: {  	s4 =	simm.s32 $0xC;
	s5 =	simm.s32 $0x10;
	s2 =	sld [smem:$0x3FC8]  }
0x92: {  	[smem:s5], [sflag:s4] =	dma.local [hbm:s16], $0x1  }
0x93: {  	_ =	swait.eq [sflag:s4], $0x1  }
0x94: {  	[sflag:s4] =	ssyncset.done $0x0  }
0x95: {  	[sflag:s4] =	ssyncadd.s32 $0xFFFFFFFF  }
0x96: {  	s17 =	sld [smem:$0x13];
	(tm) =	ssettm $0x1  }
0x97: {  	s18 =	sld [smem:$0x3FFB];
	_ =	sdelay $0x3  }
0x98: {  	_ =	strace s18  }
0x99: {  	s3 =	sld [smem:$0x3FFC];
	_ =	sdelay $0x3  }
0x9a: {  	_ =	strace s3  }
0x9b: {  	s3 =	sld [smem:$0x3FFD];
	_ =	sdelay $0x3  }
0x9c: {  	_ =	strace s3  }
0x9d: {  	_ =	strace $0x8FFFFFFF  }
0x9e: {  	s19 =	sld [smem:$0x3FDB];
	_ =	sdelay $0x1  }
0x9f: {  	s20 =	simm.s32 $_scs_section_size  }
0xa0: {  	s6 =	simm.s32 $_size__tile_overlayer_lowered;
	s7 =	simm.s32 $_tile_overlayer_lowered  }
0xa1: {  	s8 =	simm.s32 $0x1BFF;
	s21 =	sshll.u32 s7, $0x1;
	s5 =	sadd.s32 s20, s19  }
0xa2: {  	s22 =	simm.s32 $0x0;
	s6 =	sshll.u32 s6, $0x1;
	s7 =	sadd.s32 s21, s5  }
0xa3: {  	[timem:s22], [sflag:s8] =	dma.local [hbm:s7], s6  }
0xa4: {  	_ =	swait.ge [sflag:s8], s6  }
0xa5: {  	s6 =	ssub.s32 $0x0, s6;
	[sflag:s8] =	ssyncset.done $0x0  }
0xa6: {  	[sflag:s8] =	ssyncadd.s32 s6;
	_ =	sdelay $0x1  }
0xa7: {  	s23 =	simm.s32 $0x1B8B  }
0xa8: {  	_ =	swait.ge [sflag:s23], $0x1  }
0xa9: {  	[sflag:s23] =	ssyncset.done $0x0  }
0xaa: {  	[sflag:s23] =	ssyncadd.s32 $0xFFFFFFFF  }
0xab: {  	s6 =	sld [smem:$0x0]  }
0xac: {  	s7 =	sand.u32 $0xFFFFFFFE, s1  }
0xad: {  	p0 =	sne.s32 s1, s7  }
0xae: {  	s7 =	sshll.u32 @p0 s7, $0xE  }
0xaf: {  	s7 =	sadd.s32 @p0 $0x11B8D, s7;
	s8 =	sshll.u32 @p0 s6, $0x11  }
0xb0: {  	s7 =	sor.u32 @p0 s8, s7  }
0xb1: {  	[sflag:s7] =	ssyncadd.remote.s32 @p0 $0x1;
	_ =	sdelay $0x1  }
0xb2: {  	s7 =	simm.s32 @p0 $0x1B8D  }
0xb3: {  	_ =	swait.eq @p0 [sflag:s7], $0x1  }
0xb4: {  	[sflag:s7] =	ssyncadd.s32 @p0 $0xFFFFFFFF  }
0xb5: {  	s8 =	sshll.u32 @!p0 s1, $0xE  }
0xb6: {  	s8 =	sor.u32 @!p0 $0x4000, s8;
	s7 =	simm.s32 @!p0 $0x1B8D  }
0xb7: {  	s6 =	sshll.u32 @!p0 s6, $0x11;
	s8 =	sadd.s32 @!p0 $0x11B8D, s8;
	_ =	swait.eq @!p0 [sflag:s7], $0x1  }
0xb8: {  	s6 =	sor.u32 @!p0 s6, s8;
	[sflag:s7] =	ssyncadd.s32 @!p0 $0xFFFFFFFF  }
0xb9: {  	s25 =	simm.s32 $0x1B8E;
	s24 =	sld [smem:$0x3FFE];
	[sflag:s6] =	ssyncadd.remote.s32 @!p0 $0x1  }
0xba: {  	s26 =	simm.s32 $execute0_lowered;
	[smem:$0x3FD2] =	sst s25  }
0xbb: {  	s7 =	sshll.u32 s26, $0x1;
	_ =	strace $0x8000004F;
	[dreg:$0x1] =	wrdreg $0xFFFFFFFF  }
0xbc: {  	s28 =	simm.s32 $_size_execute0_lowered;
	s5 =	sadd.s32 s5, s7;
	[dreg:$0x0] =	wrdreg $0x0  }
0xbd: {  	s7 =	sshll.u32 s28, $0x1;
	[dreg:$0x2] =	wrdreg s5  }
0xbe: {  	[dreg:$0x3] =	wrdreg s7  }
0xbf: {  	[dreg:$0x4] =	wrdreg $0xC0  }
0xc0: {  	_ =	task [dreg:s22], $0x5FFFF  }
0xc1: {  	[dreg:$0x1] =	wrdreg $0xFFFFFFFF  }
0xc2: {  	[dreg:$0x0] =	wrdreg $0x60  }
0xc3: {  	[dreg:$0x2] =	wrdreg s2  }
0xc4: {  	[dreg:$0x3] =	wrdreg s24  }
0xc5: {  	[dreg:$0x4] =	wrdreg s17  }
0xc6: {  	[dreg:$0x5] =	wrdreg $0xB  }
0xc7: {  	_ =	task.clear_ibuf [dreg:s22], $0x6FFFF;
	_ =	strace $0x9000004F  }
0xc8: {  	s29 =	simm.s32 $0xB;
	_ =	strace $0x80000051  }
0xc9: {  	_ =	swait.ge [sflag:s29], $0x1  }
0xca: {  	[sflag:s29] =	ssyncadd.s32 $0xFFFFFFFF  }
0xcb: {  	_ =	strace $0x90000051  }
0xcc: {  	_ =	sfence  }
0xcd: {  	s30 =	sld [smem:$0x0];
	_ =	sdelay $0x2  }
0xce: {  	s31 =	sshll.u32 s1, $0xD;
	s1 =	sshrl.u32 s1, $0x2  }
0xcf: {  	s4 =	sand.u32 $0x4000, s31;
	s1 =	sadd.s32 s1, s30  }
0xd0: {  	s0 =	sor.u32 s4, s0;
	s1 =	sshll.u32 s1, $0x11  }
0xd1: {  	s0 =	sor.u32 s1, s0  }
0xd2: {  	s0 =	sadd.s32 $0x8F2B, s0  }
0xd3: {  	[sflag:s0] =	ssyncadd.remote.s32 $0x1  }
0xd4: {  	_ =	sfence.sel $0xFFFF  }
0xd5: {  	[dreg:$0x0] =	wrdreg $0xFFFFFFFF;
	(pc) =	sbr.abs _section_cstart, $3  }
0xd6: {  	[dreg:$0x1] =	wrdreg $0xFFFFFFFF  }
0xd7: {  	_ =	task.clear_ibuf [dreg:s22], $0x2FFFF;
	_ =	strace $0x9FFFFFFF  }
0xd8: {  	(tm) =	ssettm $0x7FFFFFFF  }
0xd9: {  	_ =	shalt  }
tec
execute0_lowered:
.L_overlay_start_1:
0x0: {  	(tag) =	ssettag $0x1  }
0x1: {  	s1 =	rddreg [dreg:$0x0]  }
0x2: {  	s4 =	rddreg [dreg:$0x1]  }
0x3: {  	s5 =	rddreg [dreg:$0x2];
	s3 =	srdreg.scid  }
0x4: {  	s0 =	rddreg [dreg:$0x3];
	s2 =	stileid.u32;
	s10 =	simm.s32 $0x2000  }
0x5: {  	s11 =	simm.s32 $0x2800;
	s12 =	simm.s32 $0x3000;
	s13 =	simm.s32 $0x3800  }
0x6: {  	s14 =	simm.s32 $0x4000;
	s15 =	simm.s32 $0x4800;
	s16 =	simm.s32 $0x5000  }
0x7: {  	s17 =	simm.s32 $0x5800;
	s18 =	simm.s32 $0x6000;
	s19 =	simm.s32 $0x6800  }
0x8: {  	s20 =	simm.s32 $0x7000;
	s21 =	simm.s32 $0x7800;
	s22 =	simm.s32 $0x8000  }
0x9: {  	s23 =	simm.s32 $0x8800;
	s24 =	simm.s32 $0x1;
	s25 =	simm.s32 $0x0  }
0xa: {  	s6 =	sand.u32 $0x1, s3;
	s3 =	simm.s32 $0x0;
	s7 =	sshll.u32 s2, $0xD  }
0xb: {  	s31 =	sshll.u32 s2, $0x12;
	s8 =	sshll.u32 s6, $0xC;
	[smem:$0x7FF] =	sst s3  }
0xc: {  	s29 =	ssub.s32 $0x2, s6;
	s6 =	sshll.u32 s6, $0x11;
	s7 =	sor.u32 s8, s7  }
0xd: {  	_ =	strace $0x80000050;
	s9 =	sshrl.u32 s29, $0x1;
	s8 =	sadd.s32 s31, s5  }
0xe: {  	v2 =	vlaneseq.u32;
	s7 =	sshrl.u32 s7, $0x3;
	s30 =	ssub.s32 s29, s9;
	s6 =	sadd.s32 s6, s8  }
0xf: {  	vm0 =	vmmov $0xffff;
	v1 =	vshrl.u32 v2, $0x3;
	s8 =	simm.s32 $0x1000;
	s9 =	simm.s32 $0x1800;
	s4 =	sadd.s32 s7, s4  }
0x10: {  	v0 =	vand.u32 $0x7, v2;
	v2 =	vor.u32 $0x8, v2;
	v1 =	vmul.u32 $0x8, v1;
	s5 =	smax.u32 s30, $0x1;
	s7 =	simm.s32 $0x2;
	s4 =	sadd.s32 $0x11A00, s4  }
.LBB2_1:
0x11: {  	[tilespmem:s3], [sflag:$0x2] =	stream.linear.gather [hbm4b:s4+s3], $0x1000, $0x38;
	[tilespmem:$0x9000] =	vst v63  }
0x12: {  	_ =	swait.ge [sflag:s7], $0x1000  }
0x13: {  	[sflag:s7] =	ssyncset.done $0x0  }
0x14: {  	s26 =	simm.s32 $0x40;
	s28 =	simm.s32 $0x0;
	[sflag:s7] =	ssyncadd.s32 $0xFFFFF000  }
.LBB2_2:
0x15: {  	v3 =	vld [tilespmem:s26+$0xFFFFFFC0];
	_ =	sdelay $0x4  }
0x16: {  	v4 =	vshll.u32 v3, $0x1  }
0x17: {  	v3 =	vand.u32 $0x7, v3;
	v4 =	vand.u32 $0xFFFFFFF0, v4  }
0x18: {  	v3 =	vor.u32 v3, v4  }
0x19: {  	v4 =	vperm.xlane v3, v0;
	_ =	sdelay $0x1  }
0x1a: {  	v3 =	vperm.xlane v3, v2;
	v4 =	vadd.s32 v1, v4;
	_ =	sdelay $0x1  }
0x1b: {  	v3 =	vadd.s32 v1, v3;
	_ =	sdelay $0x2  }
0x1c: {  	[tilespmem:s8], [sflag:$0x1] =	stream.indirect_vreg.gather [hbm4b:s1+s3], $0x80, v4, vm0, $0xb8;
	[tilespmem:$0x9000] =	vst v63  }
0x1d: {  	_ = 	snop  }
0x1e: {  	[tilespmem:s9], [sflag:$0x1] =	stream.indirect_vreg.gather [hbm4b:s1+s3], $0x80, v3, vm0, $0xb8;
	[tilespmem:$0x9000] =	vst v63  }
0x1f: {  	v3 =	vld [tilespmem:s26+$0xFFFFFFD0];
	_ =	sdelay $0x4  }
0x20: {  	v57 =	vshll.u32 v3, $0x1  }
0x21: {  	v3 =	vand.u32 $0x7, v3;
	v4 =	vand.u32 $0xFFFFFFF0, v57  }
0x22: {  	v3 =	vor.u32 v3, v4  }
0x23: {  	v4 =	vperm.xlane v3, v0;
	_ =	sdelay $0x1  }
0x24: {  	v3 =	vperm.xlane v3, v2;
	v4 =	vadd.s32 v1, v4;
	_ =	sdelay $0x1  }
0x25: {  	v3 =	vadd.s32 v1, v3;
	_ =	sdelay $0x2  }
0x26: {  	[tilespmem:s10], [sflag:$0x1] =	stream.indirect_vreg.gather [hbm4b:s1+s3], $0x80, v4, vm0, $0xb8;
	[tilespmem:$0x9000] =	vst v63  }
0x27: {  	_ = 	snop  }
0x28: {  	[tilespmem:s11], [sflag:$0x1] =	stream.indirect_vreg.gather [hbm4b:s1+s3], $0x80, v3, vm0, $0xb8;
	[tilespmem:$0x9000] =	vst v63  }
0x29: {  	v3 =	vld [tilespmem:s26+$0xFFFFFFE0];
	_ =	sdelay $0x4  }
0x2a: {  	v58 =	vshll.u32 v3, $0x1  }
0x2b: {  	v3 =	vand.u32 $0x7, v3;
	v4 =	vand.u32 $0xFFFFFFF0, v58  }
0x2c: {  	v3 =	vor.u32 v3, v4  }
0x2d: {  	v4 =	vperm.xlane v3, v0;
	_ =	sdelay $0x1  }
0x2e: {  	v3 =	vperm.xlane v3, v2;
	v4 =	vadd.s32 v1, v4;
	_ =	sdelay $0x1  }
0x2f: {  	v3 =	vadd.s32 v1, v3;
	_ =	sdelay $0x2  }
0x30: {  	[tilespmem:s12], [sflag:$0x1] =	stream.indirect_vreg.gather [hbm4b:s1+s3], $0x80, v4, vm0, $0xb8;
	[tilespmem:$0x9000] =	vst v63  }
0x31: {  	_ = 	snop  }
0x32: {  	[tilespmem:s13], [sflag:$0x1] =	stream.indirect_vreg.gather [hbm4b:s1+s3], $0x80, v3, vm0, $0xb8;
	[tilespmem:$0x9000] =	vst v63  }
0x33: {  	v3 =	vld [tilespmem:s26+$0xFFFFFFF0];
	_ =	sdelay $0x4  }
0x34: {  	v59 =	vshll.u32 v3, $0x1  }
0x35: {  	v3 =	vand.u32 $0x7, v3;
	v4 =	vand.u32 $0xFFFFFFF0, v59  }
0x36: {  	v3 =	vor.u32 v3, v4  }
0x37: {  	v4 =	vperm.xlane v3, v0;
	_ =	sdelay $0x1  }
0x38: {  	v3 =	vperm.xlane v3, v2;
	v4 =	vadd.s32 v1, v4;
	_ =	sdelay $0x1  }
0x39: {  	v3 =	vadd.s32 v1, v3;
	_ =	sdelay $0x2  }
0x3a: {  	[tilespmem:s14], [sflag:$0x1] =	stream.indirect_vreg.gather [hbm4b:s1+s3], $0x80, v4, vm0, $0xb8;
	[tilespmem:$0x9000] =	vst v63  }
0x3b: {  	_ = 	snop  }
0x3c: {  	[tilespmem:s15], [sflag:$0x1] =	stream.indirect_vreg.gather [hbm4b:s1+s3], $0x80, v3, vm0, $0xb8;
	[tilespmem:$0x9000] =	vst v63  }
0x3d: {  	v3 =	vld [tilespmem:s26+$0x0];
	_ =	sdelay $0x4  }
0x3e: {  	v60 =	vshll.u32 v3, $0x1  }
0x3f: {  	v3 =	vand.u32 $0x7, v3;
	v4 =	vand.u32 $0xFFFFFFF0, v60  }
0x40: {  	v3 =	vor.u32 v3, v4  }
0x41: {  	v4 =	vperm.xlane v3, v0;
	_ =	sdelay $0x1  }
0x42: {  	v3 =	vperm.xlane v3, v2;
	v4 =	vadd.s32 v1, v4;
	_ =	sdelay $0x1  }
0x43: {  	v3 =	vadd.s32 v1, v3;
	_ =	sdelay $0x2  }
0x44: {  	[tilespmem:s16], [sflag:$0x1] =	stream.indirect_vreg.gather [hbm4b:s1+s3], $0x80, v4, vm0, $0xb8;
	[tilespmem:$0x9000] =	vst v63  }
0x45: {  	_ = 	snop  }
0x46: {  	[tilespmem:s17], [sflag:$0x1] =	stream.indirect_vreg.gather [hbm4b:s1+s3], $0x80, v3, vm0, $0xb8;
	[tilespmem:$0x9000] =	vst v63  }
0x47: {  	v3 =	vld [tilespmem:s26+$0x10];
	_ =	sdelay $0x4  }
0x48: {  	v61 =	vshll.u32 v3, $0x1  }
0x49: {  	v3 =	vand.u32 $0x7, v3;
	v4 =	vand.u32 $0xFFFFFFF0, v61  }
0x4a: {  	v3 =	vor.u32 v3, v4  }
0x4b: {  	v4 =	vperm.xlane v3, v0;
	_ =	sdelay $0x1  }
0x4c: {  	v3 =	vperm.xlane v3, v2;
	v4 =	vadd.s32 v1, v4;
	_ =	sdelay $0x1  }
0x4d: {  	v3 =	vadd.s32 v1, v3;
	_ =	sdelay $0x2  }
0x4e: {  	[tilespmem:s18], [sflag:$0x1] =	stream.indirect_vreg.gather [hbm4b:s1+s3], $0x80, v4, vm0, $0xb8;
	[tilespmem:$0x9000] =	vst v63  }
0x4f: {  	_ = 	snop  }
0x50: {  	[tilespmem:s19], [sflag:$0x1] =	stream.indirect_vreg.gather [hbm4b:s1+s3], $0x80, v3, vm0, $0xb8;
	[tilespmem:$0x9000] =	vst v63  }
0x51: {  	v3 =	vld [tilespmem:s26+$0x20];
	_ =	sdelay $0x4  }
0x52: {  	v62 =	vshll.u32 v3, $0x1  }
0x53: {  	v3 =	vand.u32 $0x7, v3;
	v4 =	vand.u32 $0xFFFFFFF0, v62  }
0x54: {  	v3 =	vor.u32 v3, v4  }
0x55: {  	v4 =	vperm.xlane v3, v0;
	_ =	sdelay $0x1  }
0x56: {  	v3 =	vperm.xlane v3, v2;
	v4 =	vadd.s32 v1, v4;
	_ =	sdelay $0x1  }
0x57: {  	v3 =	vadd.s32 v1, v3;
	_ =	sdelay $0x2  }
0x58: {  	[tilespmem:s20], [sflag:$0x1] =	stream.indirect_vreg.gather [hbm4b:s1+s3], $0x80, v4, vm0, $0xb8;
	[tilespmem:$0x9000] =	vst v63  }
0x59: {  	_ = 	snop  }
0x5a: {  	[tilespmem:s21], [sflag:$0x1] =	stream.indirect_vreg.gather [hbm4b:s1+s3], $0x80, v3, vm0, $0xb8;
	[tilespmem:$0x9000] =	vst v63  }
0x5b: {  	v3 =	vld [tilespmem:s26+$0x30];
	_ =	sdelay $0x4  }
0x5c: {  	v63 =	vshll.u32 v3, $0x1  }
0x5d: {  	v3 =	vand.u32 $0x7, v3;
	v4 =	vand.u32 $0xFFFFFFF0, v63  }
0x5e: {  	v3 =	vor.u32 v3, v4  }
0x5f: {  	v4 =	vperm.xlane v3, v0;
	_ =	sdelay $0x1  }
0x60: {  	v3 =	vperm.xlane v3, v2;
	v4 =	vadd.s32 v1, v4;
	_ =	sdelay $0x1  }
0x61: {  	v3 =	vadd.s32 v1, v3;
	_ =	sdelay $0x2  }
0x62: {  	[tilespmem:s22], [sflag:$0x1] =	stream.indirect_vreg.gather [hbm4b:s1+s3], $0x80, v4, vm0, $0xb8;
	[tilespmem:$0x9000] =	vst v63  }
0x63: {  	_ = 	snop  }
0x64: {  	[tilespmem:s23], [sflag:$0x1] =	stream.indirect_vreg.gather [hbm4b:s1+s3], $0x80, v3, vm0, $0xb8;
	[tilespmem:$0x9000] =	vst v63  }
0x65: {  	_ =	swait.ge [sflag:s24], $0x8000  }
0x66: {  	p0 =	sne.s32 s28, $0x1F000;
	[sflag:s24] =	ssyncset.done $0x0  }
.Ltmp0:
0x67: {  	s29 =	sadd.s32 s28, s6;
	[sflag:s24] =	ssyncadd.s32 $0xFFFF8000;
	(pc) =	sbr.rel @p0 .LBB2_2-.Ltmp0, $4  }
0x68: {  	[hbm4b:s29+s3] =	stream.linear.scatter [tilespmem:s8], [sflag:$0x2], $0x8000, $0x38;
	[tilespmem:$0x9000] =	vst v63  }
0x69: {  	_ =	swait.ge [sflag:s7], $0x8000  }
0x6a: {  	[sflag:s7] =	ssyncset.done $0x0  }
0x6b: {  	s28 =	sadd.s32 $0x1000, s28;
	s26 =	sadd.s32 $0x80, s26;
	[sflag:s7] =	ssyncadd.s32 $0xFFFF8000  }
0x6c: {  	s25 =	sadd.s32 $0x1, s25  }
0x6d: {  	p0 =	sne.s32 s25, s5  }
.Ltmp1:
0x6e: {  	_ = 	snop;
	(pc) =	sbr.rel @p0 .LBB2_1-.Ltmp1, $1  }
0x6f: {  	_ =	sdelay $0x3  }
0x70: {  	_ =	sfence.sel $0x180000  }
0x71: {  	[bflag:$0x0] =	sbarrier.arrive $0xFFFF  }
0x72: {  	p0 =	sne.s32 s2, $0x0;
	_ =	strace $0x90000050  }
0x73: {  	s0 =	sadd.s32 @!p0 $0x100000, s0;
	[bflag:$0x2] =	sbarrier.arrive $0xFFFF  }
0x74: {  	[sflag:s0] =	ssyncadd.tile.s32 @!p0 $0x1;
	_ =	shalt  }
.Lfunc_end2:
_tile_overlayer_lowered:
.L_overlay_start_2:
0x75: {  	(tag) =	ssettag $0x2  }
0x76: {  	s0 =	rddreg [dreg:$0x0];
	s2 =	stileid.u32  }
0x77: {  	s1 =	rddreg [dreg:$0x1];
	p0 =	sne.s32 s2, $0x0  }
0x78: {  	s3 =	rddreg [dreg:$0x2];
	[bflag:$0x3] =	sbarrier.arrive $0xFFFF;
	s2 =	simm.s32 @!p0 $0x1C02  }
0x79: {  	[timem:s3], [sflag:s2] =	dma.local @!p0 [hbm:s0], s1  }
0x7a: {  	s0 =	simm.s32 @!p0 $0x2  }
0x7b: {  	_ =	swait.ge @!p0 [sflag:s0], s1  }
0x7c: {  	s1 =	ssub.s32 @!p0 $0x0, s1;
	[sflag:s0] =	ssyncset.done @!p0 $0x0  }
0x7d: {  	[sflag:s0] =	ssyncadd.s32 @!p0 s1  }
0x7e: {  	[bflag:$0x3] =	sbarrier.arrive $0xFFFF  }
0x7f: {  	_ =	shalt  }

// kernel: kernel.8.cloned.1.call-start
scs
__scs_entry_jumppad:
0x0: {  	(pc) =	sbr.rel $0x88, $3  }
0x1: {  	(tag) =	ssettag $0x0;
	lr =	simm.s32 $0x1  }
0x2: {  	[smem:$0x3F9F] =	sst lr;
	_ =	strace $0xD0000000  }
0x3: {  	_ = 	snop  }
0x4: {  	_ = 	snop  }
0x5: {  	_ = 	snop  }
0x6: {  	_ = 	snop  }
0x7: {  	_ = 	snop  }
__scs_overlays_trampoline_lowered:
0x8: {  	[smem:$0x3FAE] =	sst s0  }
0x9: {  	[smem:$0x3FAF] =	sst s1  }
0xa: {  	[smem:$0x3FB0] =	sst s2  }
0xb: {  	[smem:$0x3FB1] =	sst s3  }
0xc: {  	[smem:$0x3FB2] =	sst s4  }
0xd: {  	[smem:$0x3FB3] =	sst s5  }
0xe: {  	[smem:$0x3FB4] =	sst s6  }
0xf: {  	[smem:$0x3FB5] =	sst s7  }
0x10: {  	[smem:$0x3FB6] =	sst s8  }
0x11: {  	[smem:$0x3FB7] =	sst s9;
	s0 =	simm.s32 @!p0 $0x0  }
0x12: {  	s1 =	sld [smem:$0x3F9D];
	s0 =	simm.s32 @p0 $0x1  }
0x13: {  	[smem:$0x3FB8] =	sst s0;
	s0 =	simm.s32 @!p1 $0x0  }
0x14: {  	s2 =	sld [smem:$0x3F9C];
	s0 =	simm.s32 @p1 $0x1  }
0x15: {  	[smem:$0x3FB9] =	sst s0;
	s0 =	simm.s32 @!p2 $0x0  }
0x16: {  	s3 =	sld [smem:$0x3FDB];
	s0 =	simm.s32 @p2 $0x1  }
0x17: {  	s4 =	simm.s32 $0x1BF5;
	[smem:$0x3FBB] =	sst s0  }
0x18: {  	s0 =	sld [smem:$0x3F9E];
	_ =	swait.ge [sflag:s4], $0x0  }
0x19: {  	s7 =	sld [smem:$0x3F9F]  }
0x1a: {  	s8 =	sadd.s32 $0xFFFFE003, lr  }
0x1b: {  	s9 =	sadd.s32 $0xFFFFFEF7, lr;
	s5 =	simm.s32 $0xFFFFFFFF;
	p2 =	slt.u32 s8, $0xFFFFF086  }
0x1c: {  	p1 =	slt.u32 s9, $0xF7A;
	s5 =	simm.s32 @!p2 $0x0  }
0x1d: {  	s5 =	simm.s32 @p1 $0x1;
	p0 =	seq.s32 s7, s2  }
0x1e: {  	s7 =	smul.u32 @!p0 $0xF7A, s2;
	p2 =	seq.s32 @!p0 s5, $0x0  }
0x1f: {  	s9 =	smul.u32 $0xF7A, s1;
	s8 =	simm.s32 @!p0 $0x1BF5;
	p2 =	por !p2, p0  }
0x20: {  	[sflag:s8] =	ssyncset.s32 @!p0 $0xFFFFF086;
	s6 =	sadd.s32 @!p0 s3, s7;
	s7 =	simm.s32 @!p0 $0x108  }
0x21: {  	s3 =	sadd.s32 s3, s9;
	s6 =	sadd.s32 @!p0 $0x88, s6;
	s7 =	simm.s32 @p2 $0x1082  }
0x22: {  	[simem:s7], [sflag:s8] =	dma.local @!p0 [hbm:s6], $0xF7A  }
0x23: {  	s9 =	sor.u32 $0xD0000000, s2;
	s6 =	simm.s32 $0x108;
	_ =	swait.ge @!p0 [sflag:s8], $0x0  }
0x24: {  	s3 =	sadd.s32 $0x88, s3;
	s6 =	simm.s32 @!p1 $0x1082;
	[sflag:s4] =	ssyncset.s32 $0xFFFFF086  }
0x25: {  	[simem:s6], [sflag:s4] =	dma.local [hbm:s3], $0xF7A  }
0x26: {  	[smem:$0x3F9F] =	sst s1;
	(tag) =	ssettag s2;
	_ =	strace s9  }
0x27: {  	s1 =	sld [smem:$0x3FAF]  }
0x28: {  	s2 =	sld [smem:$0x3FB0]  }
0x29: {  	s4 =	sld [smem:$0x3FB2]  }
0x2a: {  	p0 =	seq.s32 s5, $0x0;
	s5 =	sld [smem:$0x3FB3]  }
0x2b: {  	s6 =	sld [smem:$0x3FB4]  }
0x2c: {  	s7 =	sld [smem:$0x3FB5]  }
0x2d: {  	s3 =	simm.s32 $0x108;
	s8 =	sld [smem:$0x3FB6]  }
0x2e: {  	s3 =	simm.s32 @!p0 $0x1082;
	s9 =	sld [smem:$0x3FB7]  }
0x2f: {  	lr =	sadd.s32 s0, s3;
	s0 =	sld [smem:$0x3FAE]  }
0x30: {  	s3 =	sld [smem:$0x3FB1]  }
0x31: {  	[smem:$0x3FBA] =	sst s10  }
0x32: {  	s10 =	sld [smem:$0x3FB8];
	_ =	sdelay $0x3  }
0x33: {  	p0 =	seq.s32 s10, $0x1;
	s10 =	sld [smem:$0x3FBA];
	_ =	sdelay $0x3  }
0x34: {  	[smem:$0x3FBA] =	sst s10  }
0x35: {  	s10 =	sld [smem:$0x3FB9];
	_ =	sdelay $0x3  }
0x36: {  	p1 =	seq.s32 s10, $0x1;
	s10 =	sld [smem:$0x3FBA];
	_ =	sdelay $0x3  }
0x37: {  	[smem:$0x3FBA] =	sst s10  }
0x38: {  	s10 =	sld [smem:$0x3FBB]  }
0x39: {  	_ = 	snop;
	(pc) =	sbr.ind lr, $3  }
0x3a: {  	_ = 	snop  }
0x3b: {  	_ = 	snop  }
0x3c: {  	p2 =	seq.s32 s10, $0x1;
	s10 =	sld [smem:$0x3FBA]  }
0x3d: {  	_ =	shalt  }
0x3e: {  	_ =	shalt  }
0x3f: {  	_ =	shalt  }
0x40: {  	_ =	shalt  }
0x41: {  	_ =	shalt  }
0x42: {  	_ =	shalt  }
0x43: {  	_ =	shalt  }
0x44: {  	_ =	shalt  }
0x45: {  	_ =	shalt  }
0x46: {  	_ =	shalt  }
0x47: {  	_ =	shalt  }
0x48: {  	_ =	shalt  }
0x49: {  	_ =	shalt  }
0x4a: {  	_ =	shalt  }
0x4b: {  	_ =	shalt  }
0x4c: {  	_ =	shalt  }
0x4d: {  	_ =	shalt  }
0x4e: {  	_ =	shalt  }
0x4f: {  	_ =	shalt  }
0x50: {  	_ =	shalt  }
0x51: {  	_ =	shalt  }
0x52: {  	_ =	shalt  }
0x53: {  	_ =	shalt  }
0x54: {  	_ =	shalt  }
0x55: {  	_ =	shalt  }
0x56: {  	_ =	shalt  }
0x57: {  	_ =	shalt  }
0x58: {  	_ =	shalt  }
0x59: {  	_ =	shalt  }
0x5a: {  	_ =	shalt  }
0x5b: {  	_ =	shalt  }
0x5c: {  	_ =	shalt  }
0x5d: {  	_ =	shalt  }
0x5e: {  	_ =	shalt  }
0x5f: {  	_ =	shalt  }
0x60: {  	_ =	shalt  }
0x61: {  	_ =	shalt  }
0x62: {  	_ =	shalt  }
0x63: {  	_ =	shalt  }
0x64: {  	_ =	shalt  }
0x65: {  	_ =	shalt  }
0x66: {  	_ =	shalt  }
0x67: {  	_ =	shalt  }
0x68: {  	_ =	shalt  }
0x69: {  	_ =	shalt  }
0x6a: {  	_ =	shalt  }
0x6b: {  	_ =	shalt  }
0x6c: {  	_ =	shalt  }
0x6d: {  	_ =	shalt  }
0x6e: {  	_ =	shalt  }
0x6f: {  	_ =	shalt  }
0x70: {  	_ =	shalt  }
0x71: {  	_ =	shalt  }
0x72: {  	_ =	shalt  }
0x73: {  	_ =	shalt  }
0x74: {  	_ =	shalt  }
0x75: {  	_ =	shalt  }
0x76: {  	_ =	shalt  }
0x77: {  	_ =	shalt  }
0x78: {  	_ =	shalt  }
0x79: {  	_ =	shalt  }
0x7a: {  	_ =	shalt  }
0x7b: {  	_ =	shalt  }
0x7c: {  	_ =	shalt  }
0x7d: {  	_ =	shalt  }
0x7e: {  	_ =	shalt  }
0x7f: {  	_ =	shalt  }
0x80: {  	_ =	shalt  }
0x81: {  	_ =	shalt  }
0x82: {  	_ =	shalt  }
0x83: {  	_ =	shalt  }
0x84: {  	_ =	shalt  }
0x85: {  	_ =	shalt  }
0x86: {  	_ =	shalt  }
0x87: {  	_ =	shalt  }
.Lfunc_end0:
.L_simem_size_0:
called_computation_lowered:
.L_overlay_start_0:
0x88: {  	s2 =	sld [smem:$0x3FD9]  }
0x89: {  	s3 =	sld [smem:$0x3FFE];
	_ =	sdelay $0x1  }
0x8a: {  	s1 =	srdreg.scid  }
0x8b: {  	s0 =	sand.u32 $0x1, s1  }
0x8c: {  	s14 =	sshll.u32 s0, $0xA;
	s2 =	sadd.s32 s3, s2  }
0x8d: {  	s2 =	sadd.s32 s2, s14  }
0x8e: {  	[smem:$0x3FC6] =	sst s2  }
0x8f: {  	_ = 	snop  }
0x90: {  	s2 =	sld [smem:$0x3FD0];
	_ =	sdelay $0x2  }
0x91: {  	s15 =	simm.s32 $0xC;
	s4 =	simm.s32 $0x10  }
0x92: {  	[smem:s4], [sflag:s15] =	dma.local [hbm:s2], $0x1  }
0x93: {  	_ =	swait.eq [sflag:s15], $0x1  }
0x94: {  	[sflag:s15] =	ssyncset.done $0x0  }
0x95: {  	[sflag:s15] =	ssyncadd.s32 $0xFFFFFFFF  }
0x96: {  	s16 =	sld [smem:$0x12];
	(tm) =	ssettm $0x1  }
0x97: {  	s17 =	sld [smem:$0x3FFB];
	_ =	sdelay $0x3  }
0x98: {  	_ =	strace s17  }
0x99: {  	s3 =	sld [smem:$0x3FFC];
	_ =	sdelay $0x3  }
0x9a: {  	_ =	strace s3  }
0x9b: {  	s3 =	sld [smem:$0x3FFD];
	_ =	sdelay $0x3  }
0x9c: {  	_ =	strace s3  }
0x9d: {  	_ =	strace $0x8FFFFFFF  }
0x9e: {  	s18 =	sld [smem:$0x3FDB];
	_ =	sdelay $0x1  }
0x9f: {  	s19 =	simm.s32 $_scs_section_size  }
0xa0: {  	s5 =	simm.s32 $_size__tile_overlayer_lowered;
	s6 =	simm.s32 $_tile_overlayer_lowered  }
0xa1: {  	s22 =	simm.s32 $0x1BFF;
	s21 =	sshll.u32 s6, $0x1;
	s3 =	sadd.s32 s19, s18  }
0xa2: {  	s7 =	simm.s32 $0x0;
	s20 =	sshll.u32 s5, $0x1;
	s5 =	sadd.s32 s21, s3  }
0xa3: {  	[timem:s7], [sflag:s22] =	dma.local [hbm:s5], s20  }
0xa4: {  	_ =	swait.ge [sflag:s22], s20  }
0xa5: {  	s4 =	ssub.s32 $0x0, s20;
	[sflag:s22] =	ssyncset.done $0x0  }
0xa6: {  	[sflag:s22] =	ssyncadd.s32 s4;
	_ =	sdelay $0x1  }
0xa7: {  	s23 =	simm.s32 $0x1B8B  }
0xa8: {  	_ =	swait.ge [sflag:s23], $0x1  }
0xa9: {  	[sflag:s23] =	ssyncset.done $0x0  }
0xaa: {  	s25 =	simm.s32 $0x1B8E;
	s24 =	sld [smem:$0x3FFE];
	[sflag:s23] =	ssyncadd.s32 $0xFFFFFFFF  }
0xab: {  	s26 =	simm.s32 $execute0_lowered;
	[smem:$0x3FD2] =	sst s25  }
0xac: {  	s5 =	sshll.u32 s26, $0x1;
	_ =	strace $0x80000046;
	[dreg:$0x1] =	wrdreg $0xFFFFFFFF  }
0xad: {  	s28 =	simm.s32 $_size_execute0_lowered;
	s3 =	sadd.s32 s3, s5;
	[dreg:$0x0] =	wrdreg $0x0  }
0xae: {  	s5 =	sshll.u32 s28, $0x1;
	[dreg:$0x2] =	wrdreg s3  }
0xaf: {  	[dreg:$0x3] =	wrdreg s5  }
0xb0: {  	[dreg:$0x4] =	wrdreg $0xC0  }
0xb1: {  	_ =	task [dreg:s7], $0x5FFFF  }
0xb2: {  	[dreg:$0x1] =	wrdreg $0xFFFFFFFF  }
0xb3: {  	[dreg:$0x0] =	wrdreg $0x60  }
0xb4: {  	[dreg:$0x2] =	wrdreg s24  }
0xb5: {  	[dreg:$0x3] =	wrdreg s16  }
0xb6: {  	[dreg:$0x4] =	wrdreg $0x9  }
0xb7: {  	_ =	task.clear_ibuf [dreg:s7], $0x5FFFF;
	_ =	strace $0x90000046  }
0xb8: {  	s29 =	simm.s32 $0x9;
	_ =	strace $0x80000048  }
0xb9: {  	_ =	swait.ge [sflag:s29], $0x1  }
0xba: {  	[sflag:s29] =	ssyncadd.s32 $0xFFFFFFFF  }
0xbb: {  	_ =	strace $0x90000048  }
0xbc: {  	_ =	sfence  }
0xbd: {  	s30 =	sld [smem:$0x0];
	_ =	sdelay $0x2  }
0xbe: {  	s31 =	sshll.u32 s1, $0xD;
	s1 =	sshrl.u32 s1, $0x2  }
0xbf: {  	s3 =	sand.u32 $0x4000, s31;
	s1 =	sadd.s32 s1, s30  }
0xc0: {  	s0 =	sor.u32 s3, s0;
	s1 =	sshll.u32 s1, $0x11  }
0xc1: {  	s0 =	sor.u32 s1, s0  }
0xc2: {  	s0 =	sadd.s32 $0x8F2B, s0  }
0xc3: {  	[sflag:s0] =	ssyncadd.remote.s32 $0x1  }
0xc4: {  	_ =	sfence.sel $0xFFFF  }
0xc5: {  	[dreg:$0x0] =	wrdreg $0xFFFFFFFF;
	(pc) =	sbr.abs _section_cstart, $3  }
0xc6: {  	[dreg:$0x1] =	wrdreg $0xFFFFFFFF  }
0xc7: {  	_ =	task.clear_ibuf [dreg:s7], $0x2FFFF;
	_ =	strace $0x9FFFFFFF  }
0xc8: {  	(tm) =	ssettm $0x7FFFFFFF  }
0xc9: {  	_ =	shalt  }
tec
execute0_lowered:
.L_overlay_start_1:
0x0: {  	(tag) =	ssettag $0x1  }
0x1: {  	s1 =	srdreg.scid  }
0x2: {  	s0 =	stileid.u32;
	s6 =	sand.u32 $0x1, s1  }
0x3: {  	s5 =	rddreg [dreg:$0x0];
	s30 =	sshll.u32 s0, $0x8;
	s2 =	sshll.u32 s6, $0x7  }
0x4: {  	s8 =	rddreg [dreg:$0x1];
	s9 =	sor.u32 s2, s30  }
0x5: {  	s1 =	rddreg [dreg:$0x2];
	s2 =	simm.s32 $0x0;
	s3 =	sshrl.u32 s9, $0x3  }
0x6: {  	s10 =	ssub.s32 $0x2, s6;
	[smem:$0x7FF] =	sst s2;
	s3 =	sadd.s32 s3, s5  }
0x7: {  	_ =	strace $0x80000047;
	s4 =	sadd.s32 $0x1800, s3;
	s3 =	simm.s32 $0x2  }
0x8: {  	[tilespmem:s2], [sflag:$0x2] =	stream.linear.gather [hbm4b:s4+s2], $0x80, $0x38;
	[tilespmem:$0x880] =	vst v63  }
0x9: {  	s7 =	simm.s32 $0x1;
	s11 =	sshrl.u32 s10, $0x1;
	_ =	swait.ge [sflag:s3], $0x80  }
0xa: {  	s6 =	simm.s32 $0x80;
	s10 =	ssub.s32 s10, s11;
	[sflag:s3] =	ssyncset.done $0x0  }
0xb: {  	s5 =	sadd.s32 $0x101A00, s5;
	s31 =	smax.u32 s10, $0x1;
	[sflag:s3] =	ssyncadd.s32 $0xFFFFFF80  }
0xc: {  	[tilespmem:s6], [sflag:$0x1] =	stream.indirect.gather [hbm4b:s5+s6], $0x10, s2, s6, $0xb8;
	[tilespmem:$0x880] =	vst v63  }
0xd: {  	p0 =	sne.s32 s31, $0x1;
	_ =	swait.ge [sflag:s7], $0x800  }
.Ltmp0:
0xe: {  	s9 =	sshll.u32 s9, $0x1;
	[sflag:s7] =	ssyncset.done $0x0;
	(pc) =	sbr.rel @!p0 .LBB2_2-.Ltmp0, $4  }
0xf: {  	s8 =	sadd.s32 s8, s9;
	[sflag:s7] =	ssyncadd.s32 $0xFFFFF800  }
0x10: {  	[hbm4b:s8+s2] =	stream.linear.scatter [tilespmem:s6], [sflag:$0x2], $0x800, $0x38;
	[tilespmem:$0x880] =	vst v63  }
0x11: {  	_ =	swait.ge [sflag:s3], $0x800  }
0x12: {  	s9 =	sadd.s32 $0xFFFFFFFF, s31;
	[sflag:s3] =	ssyncset.done $0x0  }
.LBB2_1:
0x13: {  	p0 =	sne.s32 s9, $0x1;
	s9 =	sadd.s32 $0xFFFFFFFF, s9;
	[sflag:s3] =	ssyncadd.s32 $0xFFFFF800  }
0x14: {  	[tilespmem:s2], [sflag:$0x2] =	stream.linear.gather [hbm4b:s4+s2], $0x80, $0x38;
	[tilespmem:$0x880] =	vst v63  }
0x15: {  	_ =	swait.ge [sflag:s3], $0x80  }
0x16: {  	[sflag:s3] =	ssyncset.done $0x0  }
0x17: {  	[sflag:s3] =	ssyncadd.s32 $0xFFFFFF80  }
0x18: {  	[tilespmem:s6], [sflag:$0x1] =	stream.indirect.gather [hbm4b:s5+s6], $0x10, s2, s6, $0xb8;
	[tilespmem:$0x880] =	vst v63  }
0x19: {  	_ =	swait.ge [sflag:s7], $0x800  }
.Ltmp1:
0x1a: {  	[sflag:s7] =	ssyncset.done $0x0;
	(pc) =	sbr.rel @p0 .LBB2_1-.Ltmp1, $4  }
0x1b: {  	[sflag:s7] =	ssyncadd.s32 $0xFFFFF800  }
0x1c: {  	[hbm4b:s8+s2] =	stream.linear.scatter [tilespmem:s6], [sflag:$0x2], $0x800, $0x38;
	[tilespmem:$0x880] =	vst v63  }
0x1d: {  	_ =	swait.ge [sflag:s3], $0x800  }
0x1e: {  	[sflag:s3] =	ssyncset.done $0x0  }
.LBB2_2:
0x1f: {  	[sflag:s3] =	ssyncadd.s32 $0xFFFFF800  }
0x20: {  	_ =	sfence.sel $0x180000  }
0x21: {  	[bflag:$0x0] =	sbarrier.arrive $0xFFFF  }
0x22: {  	p0 =	sne.s32 s0, $0x0;
	_ =	strace $0x90000047  }
0x23: {  	s0 =	sadd.s32 @!p0 $0x100000, s1;
	[bflag:$0x2] =	sbarrier.arrive $0xFFFF  }
0x24: {  	[sflag:s0] =	ssyncadd.tile.s32 @!p0 $0x1;
	_ =	shalt  }
.Lfunc_end2:
_tile_overlayer_lowered:
.L_overlay_start_2:
0x25: {  	(tag) =	ssettag $0x2  }
0x26: {  	s0 =	rddreg [dreg:$0x0];
	s2 =	stileid.u32  }
0x27: {  	s1 =	rddreg [dreg:$0x1];
	p0 =	sne.s32 s2, $0x0  }
0x28: {  	s3 =	rddreg [dreg:$0x2];
	[bflag:$0x3] =	sbarrier.arrive $0xFFFF;
	s2 =	simm.s32 @!p0 $0x1C02  }
0x29: {  	[timem:s3], [sflag:s2] =	dma.local @!p0 [hbm:s0], s1  }
0x2a: {  	s0 =	simm.s32 @!p0 $0x2  }
0x2b: {  	_ =	swait.ge @!p0 [sflag:s0], s1  }
0x2c: {  	s1 =	ssub.s32 @!p0 $0x0, s1;
	[sflag:s0] =	ssyncset.done @!p0 $0x0  }
0x2d: {  	[sflag:s0] =	ssyncadd.s32 @!p0 s1  }
0x2e: {  	[bflag:$0x3] =	sbarrier.arrive $0xFFFF  }
0x2f: {  	_ =	shalt  }

</sc_bundles>
